<compile_context>
chip_gen: v7x
topology: tpu7x:2x2x1
jax: 0.10.2.dev20260603
libtpu: 0.0.44.dev20260713+nightly
codegen_flags: <defaults>
</compile_context>

<pallas_src>
import functools

import jax
import jax.numpy as jnp
from jax import lax
from jax.experimental import pallas as pl
from jax.experimental.pallas import tpu as pltpu
from jax.experimental.pallas import tpu_sc as plsc

ROWS = 128
COLS = 32768
LANES = 16
CHUNKS = COLS // LANES
GSIZE = 8
NGROUPS = CHUNKS // GSIZE
NC, NS = 2, 16
NW = NC * NS
ROWS_PER_W = ROWS // NW
NEG = -1e30


def _iota16():
    return lax.broadcasted_iota(jnp.int32, (LANES,), 0)


def _insert(carry, x, tag, exact=False):
    m1, m2, m3, i1, i2, i3 = carry
    if exact:
        dup = ((x == m1) & (tag == i1)) | ((x == m2) & (tag == i2)) | (
            (x == m3) & (tag == i3))
        keep = ~dup
        t1 = ((x > m1) | ((x == m1) & (tag < i1))) & keep
        t2 = ((x > m2) | ((x == m2) & (tag < i2))) & keep
        t3 = ((x > m3) | ((x == m3) & (tag < i3))) & keep
    else:
        t1 = x > m1
        t2 = x > m2
        t3 = x > m3
    n_m3 = jnp.where(t2, m2, jnp.where(t3, x, m3))
    n_i3 = jnp.where(t2, i2, jnp.where(t3, tag, i3))
    n_m2 = jnp.where(t1, m1, jnp.where(t2, x, m2))
    n_i2 = jnp.where(t1, i1, jnp.where(t2, tag, i2))
    n_m1 = jnp.where(t1, x, m1)
    n_i1 = jnp.where(t1, tag, i1)
    return n_m1, n_m2, n_m3, n_i1, n_i2, n_i3


def _fresh_carry():
    negv = jnp.full((LANES,), NEG, jnp.float32)
    zv = jnp.zeros((LANES,), jnp.int32)
    return (negv, negv, negv, zv, zv, zv)


def _merge_pop(carry):
    m1, m2, m3, i1, i2, i3 = carry
    r = jnp.max(m1)
    sel = m1 == r
    colv = i1 * LANES + _iota16()
    col = jnp.min(jnp.where(sel, colv, jnp.int32(2147483647)))
    lm = sel & (colv == col)
    n_m1 = jnp.where(lm, m2, m1)
    n_i1 = jnp.where(lm, i2, i1)
    n_m2 = jnp.where(lm, m3, m2)
    n_i2 = jnp.where(lm, i3, i2)
    n_m3 = jnp.where(lm, jnp.float32(NEG), m3)
    return (r, col), (n_m1, n_m2, n_m3, n_i1, n_i2, i3)


def _sc_body(scores_hbm, out_hbm, in_v, out_v, in_sems, out_sem):
    wid = lax.axis_index("s") * NC + lax.axis_index("c")
    iota = _iota16()
    zeros16 = jnp.zeros((LANES,), jnp.float32)

    row0 = wid * ROWS_PER_W
    HALF = COLS // 2
    for b in (0, 1):
        pltpu.async_copy(
            scores_hbm.at[row0 + b, pl.ds(0, HALF)],
            in_v.at[b, pl.ds(0, HALF)], in_sems.at[b, 0])
        pltpu.async_copy(
            scores_hbm.at[row0 + b, pl.ds(HALF, HALF)],
            in_v.at[b, pl.ds(HALF, HALF)], in_sems.at[b, 1])

    def zbody(i, _):
        out_v[pl.ds(i * LANES, LANES)] = zeros16
        return 0

    lax.fori_loop(0, CHUNKS, zbody, 0, unroll=8)

    prev_idx0 = iota
    mask3 = iota < 3

    def row_body(r, prev_idx):
        row = row0 + r
        buf = r % 2
        HALF = COLS // 2
        pltpu.make_async_copy(
            scores_hbm.at[row, pl.ds(0, HALF)],
            in_v.at[buf, pl.ds(0, HALF)], in_sems.at[buf, 0]
        ).wait()

        @pl.when((r > 0) & (r < ROWS_PER_W - 1))
        def _prefetch():
            pltpu.async_copy(
                scores_hbm.at[row + 1, pl.ds(0, HALF)],
                in_v.at[1 - buf, pl.ds(0, HALF)], in_sems.at[1 - buf, 0])
            pltpu.async_copy(
                scores_hbm.at[row + 1, pl.ds(HALF, HALF)],
                in_v.at[1 - buf, pl.ds(HALF, HALF)], in_sems.at[1 - buf, 1])

        def scan_group(g, carry):
            base = g * (GSIZE * LANES)
            gm = in_v[buf, pl.ds(base, LANES)]
            for u in range(1, GSIZE):
                gm = jnp.maximum(gm, in_v[buf, pl.ds(base + u * LANES, LANES)])
            return _insert(carry, gm, g)

        sc = lax.fori_loop(0, NGROUPS // 2, scan_group, _fresh_carry(), unroll=2)
        pltpu.make_async_copy(
            scores_hbm.at[row, pl.ds(HALF, HALF)],
            in_v.at[buf, pl.ds(HALF, HALF)], in_sems.at[buf, 1]
        ).wait()
        sc = lax.fori_loop(NGROUPS // 2, NGROUPS, scan_group, sc, unroll=2)

        gids = []
        for _ in range(5):
            (_, gcol), sc = _merge_pop(sc)
            gids.append(lax.shift_right_logical(gcol, 4))

        fc = _fresh_carry()
        for gid in gids:
            def rescan_chunk(u, carry, gid=gid):
                x = in_v[buf, pl.ds(gid * (GSIZE * LANES) + u * LANES, LANES)]
                return _insert(carry, x, gid * GSIZE + u, exact=True)

            fc = lax.fori_loop(0, GSIZE, rescan_chunk, fc)

        (v1, col1), fc = _merge_pop(fc)
        (v2, col2), fc = _merge_pop(fc)
        (v3, col3), fc = _merge_pop(fc)

        vals = jnp.where(
            iota == 0, v1, jnp.where(iota == 1, v2, jnp.where(iota == 2, v3, jnp.float32(NEG)))
        )
        e = jnp.exp(vals - v1)
        p = e / jnp.sum(e)

        idx = jnp.where(iota == 0, col1, jnp.where(iota == 1, col2, jnp.where(iota == 2, col3, jnp.int32(0))))

        @pl.when(r > 0)
        def _clear_prev():
            pltpu.make_async_copy(out_v, out_hbm.at[row - 1], out_sem).wait()
            plsc.store_scatter(out_v, [prev_idx], zeros16, mask=mask3)

        plsc.store_scatter(out_v, [idx], p, mask=mask3)
        pltpu.async_copy(out_v, out_hbm.at[row], out_sem)
        return idx

    lax.fori_loop(0, ROWS_PER_W, row_body, prev_idx0)

    pltpu.make_async_copy(
        out_v, out_hbm.at[row0 + ROWS_PER_W - 1], out_sem
    ).wait()


def kernel(scores):
    mesh = plsc.VectorSubcoreMesh(
        core_axis_name="c", subcore_axis_name="s", num_cores=NC, num_subcores=NS
    )
    fn = pl.kernel(
        _sc_body,
        out_type=jax.ShapeDtypeStruct((ROWS, COLS), jnp.float32),
        mesh=mesh,
        compiler_params=pltpu.CompilerParams(needs_layout_passes=False),
        scratch_types=[
            pltpu.VMEM((2, COLS), jnp.float32),
            pltpu.VMEM((COLS,), jnp.float32),
            pltpu.SemaphoreType.DMA((2, 2)),
            pltpu.SemaphoreType.DMA,
        ],
    )
    return fn(scores)

# --- scband reference (transcript-rebuilt; emitter-appended) ---
"""Pipeline reference for scband-top-ksoft-28080496181695 (READ-ONLY COPY).

The authoritative reference and input builder live on the scoring server;
editing this copy changes nothing except your own understanding.
"""

import jax, jax.numpy as jnp
import numpy as np

K = 3

def setup_inputs(seed: int = 0) -> dict:
    key = jax.random.key(seed)
    scores = jax.random.normal(key, (128, 32768), dtype=jnp.float32)
    return {"scores": scores}

def reference(scores):
    topk_scores, topk_indices = jax.lax.top_k(scores, K)
    b_idx = jnp.arange(scores.shape[0])[:, None]
    mask = jnp.zeros_like(scores).at[b_idx, topk_indices].set(1.0)
    masked_scores = scores * mask + (-1000000000.0) * (1.0 - mask)
    return jax.nn.softmax(masked_scores, axis=-1)

if __name__ == "__main__":
    import jax
    _d = setup_inputs()
    print(jax.jit(kernel)(*tuple(_d.values())))

</pallas_src>

<mosaic_0001>
#map = affine_map<(d0, d1) -> (0, 0)>
module attributes {stable_mosaic.version = 14 : i64} {
  func.func @_sc_body(%arg0: i32, %arg1: i32, %arg2: memref<128x32768xf32, #tpu.memory_space<hbm>>, %arg3: memref<128x32768xf32, #tpu.memory_space<hbm>>, %arg4: memref<2x32768xf32, #tpu.memory_space<vmem>>, %arg5: memref<32768xf32, #tpu.memory_space<vmem>>, %arg6: memref<2x2x!tpu.dma_semaphore, #tpu.memory_space<semaphore_mem>>, %arg7: memref<!tpu.dma_semaphore, #tpu.memory_space<semaphore_mem>>) attributes {dimension_semantics = [#tpu.dimension_semantics<core_parallel>, #tpu.dimension_semantics<subcore_parallel>], iteration_bounds = array<i64: 2, 16>, scalar_prefetch = 0 : i64, scratch_operands = 4 : i64, tpu.core_type = #tpu.core_type<sc_vector_subcore>, window_params = [{transform_indices = #map}, {transform_indices = #map}]} {
    %mul3A = arith.constant 2 : i32
    %mul3A_0 = arith.muli %arg1, %mul3A : i32
    %add3A = arith.addi %mul3A_0, %arg0 : i32
    %iota3A = tpu.iota {dimensions = array<i32: 0>} : vector<16xi32>
    %broadcast_in_dim3A = arith.constant 0.000000e+00 : f32
    %broadcast_in_dim3A_1 = vector.broadcast %broadcast_in_dim3A : f32 to vector<16xf32>
    %mul3A_2 = arith.constant 4 : i32
    %mul3A_3 = arith.muli %add3A, %mul3A_2 : i32
    %add3A_4 = arith.constant 0 : i32
    %add3A_5 = arith.addi %mul3A_3, %add3A_4 : i32
    %dma_start3A = arith.constant 0 : i32
    %dma_start3A_6 = arith.constant 0 : i32
    %dma_start3A_7 = arith.constant 0 : i32
    %dma_start3A_8 = arith.constant 0 : i32
    %dma_start3A_9 = tpu.memref_slice %arg4[%dma_start3A, %dma_start3A_8] : memref<2x32768xf32, #tpu.memory_space<vmem>> -> memref<1x16384xf32, #tpu.memory_space<vmem>>
    %dma_start3A_10 = tpu.memref_squeeze %dma_start3A_9 : memref<1x16384xf32, #tpu.memory_space<vmem>> -> memref<16384xf32, #tpu.memory_space<vmem>>
    %dma_start3A_11 = arith.constant 0 : i32
    %dma_start3A_12 = tpu.memref_slice %arg2[%add3A_5, %dma_start3A_11] : memref<128x32768xf32, #tpu.memory_space<hbm>> -> memref<1x16384xf32, #tpu.memory_space<hbm>>
    %dma_start3A_13 = tpu.memref_squeeze %dma_start3A_12 : memref<1x16384xf32, #tpu.memory_space<hbm>> -> memref<16384xf32, #tpu.memory_space<hbm>>
    %dma_start3A_14 = tpu.memref_slice %arg6[%dma_start3A_6, %dma_start3A_7] : memref<2x2x!tpu.dma_semaphore, #tpu.memory_space<semaphore_mem>> -> memref<1x1x!tpu.dma_semaphore, #tpu.memory_space<semaphore_mem>>
    %dma_start3A_15 = tpu.memref_squeeze %dma_start3A_14 : memref<1x1x!tpu.dma_semaphore, #tpu.memory_space<semaphore_mem>> -> memref<!tpu.dma_semaphore, #tpu.memory_space<semaphore_mem>>
    %dma_start3A_16 = arith.constant 0 : i32
    %dma_start3A_17 = tpu.memref_slice %arg4[%dma_start3A, %dma_start3A_16] : memref<2x32768xf32, #tpu.memory_space<vmem>> -> memref<1x16384xf32, #tpu.memory_space<vmem>>
    %dma_start3A_18 = tpu.memref_squeeze %dma_start3A_17 : memref<1x16384xf32, #tpu.memory_space<vmem>> -> memref<16384xf32, #tpu.memory_space<vmem>>
    %dma_start3A_19 = arith.constant 0 : i32
    %dma_start3A_20 = tpu.memref_slice %arg2[%add3A_5, %dma_start3A_19] : memref<128x32768xf32, #tpu.memory_space<hbm>> -> memref<1x16384xf32, #tpu.memory_space<hbm>>
    %dma_start3A_21 = tpu.memref_squeeze %dma_start3A_20 : memref<1x16384xf32, #tpu.memory_space<hbm>> -> memref<16384xf32, #tpu.memory_space<hbm>>
    tpu.enqueue_dma source(%dma_start3A_21 : memref<16384xf32, #tpu.memory_space<hbm>>) target(%dma_start3A_18 : memref<16384xf32, #tpu.memory_space<vmem>>) target_semaphore(%dma_start3A_15 : memref<!tpu.dma_semaphore, #tpu.memory_space<semaphore_mem>>)
    %add3A_22 = arith.constant 0 : i32
    %add3A_23 = arith.addi %mul3A_3, %add3A_22 : i32
    %dma_start3A_24 = arith.constant 0 : i32
    %dma_start3A_25 = arith.constant 0 : i32
    %dma_start3A_26 = arith.constant 1 : i32
    %dma_start3A_27 = arith.constant 16384 : i32
    %dma_start3A_28 = tpu.memref_slice %arg4[%dma_start3A_24, %dma_start3A_27] : memref<2x32768xf32, #tpu.memory_space<vmem>> -> memref<1x16384xf32, #tpu.memory_space<vmem>>
    %dma_start3A_29 = tpu.memref_squeeze %dma_start3A_28 : memref<1x16384xf32, #tpu.memory_space<vmem>> -> memref<16384xf32, #tpu.memory_space<vmem>>
    %dma_start3A_30 = arith.constant 16384 : i32
    %dma_start3A_31 = tpu.memref_slice %arg2[%add3A_23, %dma_start3A_30] : memref<128x32768xf32, #tpu.memory_space<hbm>> -> memref<1x16384xf32, #tpu.memory_space<hbm>>
    %dma_start3A_32 = tpu.memref_squeeze %dma_start3A_31 : memref<1x16384xf32, #tpu.memory_space<hbm>> -> memref<16384xf32, #tpu.memory_space<hbm>>
    %dma_start3A_33 = tpu.memref_slice %arg6[%dma_start3A_25, %dma_start3A_26] : memref<2x2x!tpu.dma_semaphore, #tpu.memory_space<semaphore_mem>> -> memref<1x1x!tpu.dma_semaphore, #tpu.memory_space<semaphore_mem>>
    %dma_start3A_34 = tpu.memref_squeeze %dma_start3A_33 : memref<1x1x!tpu.dma_semaphore, #tpu.memory_space<semaphore_mem>> -> memref<!tpu.dma_semaphore, #tpu.memory_space<semaphore_mem>>
    %dma_start3A_35 = arith.constant 16384 : i32
    %dma_start3A_36 = tpu.memref_slice %arg4[%dma_start3A_24, %dma_start3A_35] : memref<2x32768xf32, #tpu.memory_space<vmem>> -> memref<1x16384xf32, #tpu.memory_space<vmem>>
    %dma_start3A_37 = tpu.memref_squeeze %dma_start3A_36 : memref<1x16384xf32, #tpu.memory_space<vmem>> -> memref<16384xf32, #tpu.memory_space<vmem>>
    %dma_start3A_38 = arith.constant 16384 : i32
    %dma_start3A_39 = tpu.memref_slice %arg2[%add3A_23, %dma_start3A_38] : memref<128x32768xf32, #tpu.memory_space<hbm>> -> memref<1x16384xf32, #tpu.memory_space<hbm>>
    %dma_start3A_40 = tpu.memref_squeeze %dma_start3A_39 : memref<1x16384xf32, #tpu.memory_space<hbm>> -> memref<16384xf32, #tpu.memory_space<hbm>>
    tpu.enqueue_dma source(%dma_start3A_40 : memref<16384xf32, #tpu.memory_space<hbm>>) target(%dma_start3A_37 : memref<16384xf32, #tpu.memory_space<vmem>>) target_semaphore(%dma_start3A_34 : memref<!tpu.dma_semaphore, #tpu.memory_space<semaphore_mem>>)
    %add3A_41 = arith.constant 1 : i32
    %add3A_42 = arith.addi %mul3A_3, %add3A_41 : i32
    %dma_start3A_43 = arith.constant 1 : i32
    %dma_start3A_44 = arith.constant 1 : i32
    %dma_start3A_45 = arith.constant 0 : i32
    %dma_start3A_46 = arith.constant 0 : i32
    %dma_start3A_47 = tpu.memref_slice %arg4[%dma_start3A_43, %dma_start3A_46] : memref<2x32768xf32, #tpu.memory_space<vmem>> -> memref<1x16384xf32, #tpu.memory_space<vmem>>
    %dma_start3A_48 = tpu.memref_squeeze %dma_start3A_47 : memref<1x16384xf32, #tpu.memory_space<vmem>> -> memref<16384xf32, #tpu.memory_space<vmem>>
    %dma_start3A_49 = arith.constant 0 : i32
    %dma_start3A_50 = tpu.memref_slice %arg2[%add3A_42, %dma_start3A_49] : memref<128x32768xf32, #tpu.memory_space<hbm>> -> memref<1x16384xf32, #tpu.memory_space<hbm>>
    %dma_start3A_51 = tpu.memref_squeeze %dma_start3A_50 : memref<1x16384xf32, #tpu.memory_space<hbm>> -> memref<16384xf32, #tpu.memory_space<hbm>>
    %dma_start3A_52 = tpu.memref_slice %arg6[%dma_start3A_44, %dma_start3A_45] : memref<2x2x!tpu.dma_semaphore, #tpu.memory_space<semaphore_mem>> -> memref<1x1x!tpu.dma_semaphore, #tpu.memory_space<semaphore_mem>>
    %dma_start3A_53 = tpu.memref_squeeze %dma_start3A_52 : memref<1x1x!tpu.dma_semaphore, #tpu.memory_space<semaphore_mem>> -> memref<!tpu.dma_semaphore, #tpu.memory_space<semaphore_mem>>
    %dma_start3A_54 = arith.constant 0 : i32
    %dma_start3A_55 = tpu.memref_slice %arg4[%dma_start3A_43, %dma_start3A_54] : memref<2x32768xf32, #tpu.memory_space<vmem>> -> memref<1x16384xf32, #tpu.memory_space<vmem>>
    %dma_start3A_56 = tpu.memref_squeeze %dma_start3A_55 : memref<1x16384xf32, #tpu.memory_space<vmem>> -> memref<16384xf32, #tpu.memory_space<vmem>>
    %dma_start3A_57 = arith.constant 0 : i32
    %dma_start3A_58 = tpu.memref_slice %arg2[%add3A_42, %dma_start3A_57] : memref<128x32768xf32, #tpu.memory_space<hbm>> -> memref<1x16384xf32, #tpu.memory_space<hbm>>
    %dma_start3A_59 = tpu.memref_squeeze %dma_start3A_58 : memref<1x16384xf32, #tpu.memory_space<hbm>> -> memref<16384xf32, #tpu.memory_space<hbm>>
    tpu.enqueue_dma source(%dma_start3A_59 : memref<16384xf32, #tpu.memory_space<hbm>>) target(%dma_start3A_56 : memref<16384xf32, #tpu.memory_space<vmem>>) target_semaphore(%dma_start3A_53 : memref<!tpu.dma_semaphore, #tpu.memory_space<semaphore_mem>>)
    %add3A_60 = arith.constant 1 : i32
    %add3A_61 = arith.addi %mul3A_3, %add3A_60 : i32
    %dma_start3A_62 = arith.constant 1 : i32
    %dma_start3A_63 = arith.constant 1 : i32
    %dma_start3A_64 = arith.constant 1 : i32
    %dma_start3A_65 = arith.constant 16384 : i32
    %dma_start3A_66 = tpu.memref_slice %arg4[%dma_start3A_62, %dma_start3A_65] : memref<2x32768xf32, #tpu.memory_space<vmem>> -> memref<1x16384xf32, #tpu.memory_space<vmem>>
    %dma_start3A_67 = tpu.memref_squeeze %dma_start3A_66 : memref<1x16384xf32, #tpu.memory_space<vmem>> -> memref<16384xf32, #tpu.memory_space<vmem>>
    %dma_start3A_68 = arith.constant 16384 : i32
    %dma_start3A_69 = tpu.memref_slice %arg2[%add3A_61, %dma_start3A_68] : memref<128x32768xf32, #tpu.memory_space<hbm>> -> memref<1x16384xf32, #tpu.memory_space<hbm>>
    %dma_start3A_70 = tpu.memref_squeeze %dma_start3A_69 : memref<1x16384xf32, #tpu.memory_space<hbm>> -> memref<16384xf32, #tpu.memory_space<hbm>>
    %dma_start3A_71 = tpu.memref_slice %arg6[%dma_start3A_63, %dma_start3A_64] : memref<2x2x!tpu.dma_semaphore, #tpu.memory_space<semaphore_mem>> -> memref<1x1x!tpu.dma_semaphore, #tpu.memory_space<semaphore_mem>>
    %dma_start3A_72 = tpu.memref_squeeze %dma_start3A_71 : memref<1x1x!tpu.dma_semaphore, #tpu.memory_space<semaphore_mem>> -> memref<!tpu.dma_semaphore, #tpu.memory_space<semaphore_mem>>
    %dma_start3A_73 = arith.constant 16384 : i32
    %dma_start3A_74 = tpu.memref_slice %arg4[%dma_start3A_62, %dma_start3A_73] : memref<2x32768xf32, #tpu.memory_space<vmem>> -> memref<1x16384xf32, #tpu.memory_space<vmem>>
    %dma_start3A_75 = tpu.memref_squeeze %dma_start3A_74 : memref<1x16384xf32, #tpu.memory_space<vmem>> -> memref<16384xf32, #tpu.memory_space<vmem>>
    %dma_start3A_76 = arith.constant 16384 : i32
    %dma_start3A_77 = tpu.memref_slice %arg2[%add3A_61, %dma_start3A_76] : memref<128x32768xf32, #tpu.memory_space<hbm>> -> memref<1x16384xf32, #tpu.memory_space<hbm>>
    %dma_start3A_78 = tpu.memref_squeeze %dma_start3A_77 : memref<1x16384xf32, #tpu.memory_space<hbm>> -> memref<16384xf32, #tpu.memory_space<hbm>>
    tpu.enqueue_dma source(%dma_start3A_78 : memref<16384xf32, #tpu.memory_space<hbm>>) target(%dma_start3A_75 : memref<16384xf32, #tpu.memory_space<vmem>>) target_semaphore(%dma_start3A_72 : memref<!tpu.dma_semaphore, #tpu.memory_space<semaphore_mem>>)
    %scan3A = arith.constant 0 : i32
    %scan3A_79 = arith.constant 0 : i32
    %scan3A_80 = arith.constant 2048 : i32
    %scan3A_81 = arith.addi %scan3A_79, %scan3A_80 : i32
    %scan3A_82 = arith.constant 8 : i32
    %scan3A_83 = scf.for %scan3A_101 = %scan3A_79 to %scan3A_81 step %scan3A_82 iter_args(%scan3A_102 = %scan3A) -> (i32)  : i32 {
      %mul3A_103 = arith.constant 16 : i32
      %mul3A_104 = arith.muli %scan3A_101, %mul3A_103 : i32
      %swap3A = arith.index_cast %mul3A_104 : i32 to index
      %swap3A_105 = tpu.vector_load %arg5[%swap3A] {strides = array<i32>} : memref<32768xf32, #tpu.memory_space<vmem>>, vector<16xf32>,
      tpu.vector_store %arg5[%swap3A], %broadcast_in_dim3A_1 {strides = array<i32>} : memref<32768xf32, #tpu.memory_space<vmem>>, vector<16xf32>,
      %scan3A_106 = arith.constant 0 : i32
      %scan3A_107 = arith.constant 1 : i32
      %scan3A_108 = arith.addi %scan3A_101, %scan3A_107 : i32
      %mul3A_109 = arith.constant 16 : i32
      %mul3A_110 = arith.muli %scan3A_108, %mul3A_109 : i32
      %swap3A_111 = arith.index_cast %mul3A_110 : i32 to index
      %swap3A_112 = tpu.vector_load %arg5[%swap3A_111] {strides = array<i32>} : memref<32768xf32, #tpu.memory_space<vmem>>, vector<16xf32>,
      tpu.vector_store %arg5[%swap3A_111], %broadcast_in_dim3A_1 {strides = array<i32>} : memref<32768xf32, #tpu.memory_space<vmem>>, vector<16xf32>,
      %scan3A_113 = arith.constant 0 : i32
      %scan3A_114 = arith.constant 2 : i32
      %scan3A_115 = arith.addi %scan3A_101, %scan3A_114 : i32
      %mul3A_116 = arith.constant 16 : i32
      %mul3A_117 = arith.muli %scan3A_115, %mul3A_116 : i32
      %swap3A_118 = arith.index_cast %mul3A_117 : i32 to index
      %swap3A_119 = tpu.vector_load %arg5[%swap3A_118] {strides = array<i32>} : memref<32768xf32, #tpu.memory_space<vmem>>, vector<16xf32>,
      tpu.vector_store %arg5[%swap3A_118], %broadcast_in_dim3A_1 {strides = array<i32>} : memref<32768xf32, #tpu.memory_space<vmem>>, vector<16xf32>,
      %scan3A_120 = arith.constant 0 : i32
      %scan3A_121 = arith.constant 3 : i32
      %scan3A_122 = arith.addi %scan3A_101, %scan3A_121 : i32
      %mul3A_123 = arith.constant 16 : i32
      %mul3A_124 = arith.muli %scan3A_122, %mul3A_123 : i32
      %swap3A_125 = arith.index_cast %mul3A_124 : i32 to index
      %swap3A_126 = tpu.vector_load %arg5[%swap3A_125] {strides = array<i32>} : memref<32768xf32, #tpu.memory_space<vmem>>, vector<16xf32>,
      tpu.vector_store %arg5[%swap3A_125], %broadcast_in_dim3A_1 {strides = array<i32>} : memref<32768xf32, #tpu.memory_space<vmem>>, vector<16xf32>,
      %scan3A_127 = arith.constant 0 : i32
      %scan3A_128 = arith.constant 4 : i32
      %scan3A_129 = arith.addi %scan3A_101, %scan3A_128 : i32
      %mul3A_130 = arith.constant 16 : i32
      %mul3A_131 = arith.muli %scan3A_129, %mul3A_130 : i32
      %swap3A_132 = arith.index_cast %mul3A_131 : i32 to index
      %swap3A_133 = tpu.vector_load %arg5[%swap3A_132] {strides = array<i32>} : memref<32768xf32, #tpu.memory_space<vmem>>, vector<16xf32>,
      tpu.vector_store %arg5[%swap3A_132], %broadcast_in_dim3A_1 {strides = array<i32>} : memref<32768xf32, #tpu.memory_space<vmem>>, vector<16xf32>,
      %scan3A_134 = arith.constant 0 : i32
      %scan3A_135 = arith.constant 5 : i32
      %scan3A_136 = arith.addi %scan3A_101, %scan3A_135 : i32
      %mul3A_137 = arith.constant 16 : i32
      %mul3A_138 = arith.muli %scan3A_136, %mul3A_137 : i32
      %swap3A_139 = arith.index_cast %mul3A_138 : i32 to index
      %swap3A_140 = tpu.vector_load %arg5[%swap3A_139] {strides = array<i32>} : memref<32768xf32, #tpu.memory_space<vmem>>, vector<16xf32>,
      tpu.vector_store %arg5[%swap3A_139], %broadcast_in_dim3A_1 {strides = array<i32>} : memref<32768xf32, #tpu.memory_space<vmem>>, vector<16xf32>,
      %scan3A_141 = arith.constant 0 : i32
      %scan3A_142 = arith.constant 6 : i32
      %scan3A_143 = arith.addi %scan3A_101, %scan3A_142 : i32
      %mul3A_144 = arith.constant 16 : i32
      %mul3A_145 = arith.muli %scan3A_143, %mul3A_144 : i32
      %swap3A_146 = arith.index_cast %mul3A_145 : i32 to index
      %swap3A_147 = tpu.vector_load %arg5[%swap3A_146] {strides = array<i32>} : memref<32768xf32, #tpu.memory_space<vmem>>, vector<16xf32>,
      tpu.vector_store %arg5[%swap3A_146], %broadcast_in_dim3A_1 {strides = array<i32>} : memref<32768xf32, #tpu.memory_space<vmem>>, vector<16xf32>,
      %scan3A_148 = arith.constant 0 : i32
      %scan3A_149 = arith.constant 7 : i32
      %scan3A_150 = arith.addi %scan3A_101, %scan3A_149 : i32
      %mul3A_151 = arith.constant 16 : i32
      %mul3A_152 = arith.muli %scan3A_150, %mul3A_151 : i32
      %swap3A_153 = arith.index_cast %mul3A_152 : i32 to index
      %swap3A_154 = tpu.vector_load %arg5[%swap3A_153] {strides = array<i32>} : memref<32768xf32, #tpu.memory_space<vmem>>, vector<16xf32>,
      tpu.vector_store %arg5[%swap3A_153], %broadcast_in_dim3A_1 {strides = array<i32>} : memref<32768xf32, #tpu.memory_space<vmem>>, vector<16xf32>,
      %scan3A_155 = arith.constant 0 : i32
      scf.yield %scan3A_155 : i32
    }
    %scan3A_84 = arith.constant 2048 : i32
    %lt3A = arith.constant 3 : i32
    %lt3A_85 = vector.broadcast %lt3A : i32 to vector<16xi32>
    %lt3A_86 = arith.cmpi slt, %iota3A, %lt3A_85 : vector<16xi32>
    %scan3A_87 = arith.constant 0 : i32
    %scan3A_88 = arith.constant 4 : i32
    %scan3A_89 = arith.addi %scan3A_87, %scan3A_88 : i32
    %scan3A_90 = arith.constant 1 : i32
    %scan3A_91 = scf.for %scan3A_101 = %scan3A_87 to %scan3A_89 step %scan3A_90 iter_args(%scan3A_102 = %iota3A) -> (vector<16xi32>)  : i32 {
      %add3A_103 = arith.addi %mul3A_3, %scan3A_101 : i32
      %jit3A = arith.constant 2 : i32
      %eq3A = arith.constant 0 : i32
      %eq3A_104 = arith.cmpi eq, %jit3A, %eq3A : i32
      %jit3A_105 = arith.constant 1 : i32
      %select_n3A = arith.select %eq3A_104, %jit3A_105, %jit3A : i32
      %rem3A = arith.remsi %scan3A_101, %select_n3A : i32
      %ne3A = arith.constant 0 : i32
      %ne3A_106 = arith.cmpi ne, %rem3A, %ne3A : i32
      %lt3A_107 = arith.constant 0 : i32
      %lt3A_108 = arith.cmpi slt, %rem3A, %lt3A_107 : i32
      %lt3A_109 = arith.constant 0 : i32
      %lt3A_110 = arith.cmpi slt, %select_n3A, %lt3A_109 : i32
      %ne3A_111 = arith.xori %lt3A_108, %lt3A_110 : i1
      %and3A = arith.andi %ne3A_111, %ne3A_106 : i1
      %add3A_112 = arith.addi %rem3A, %select_n3A : i32
      %select_n3A_113 = arith.select %and3A, %add3A_112, %rem3A : i32
      %dma_wait3A_114 = arith.constant 0 : i32
      %dma_wait3A_115 = arith.constant 0 : i32
      %dma_wait3A_116 = tpu.memref_slice %arg4[%select_n3A_113, %dma_wait3A_115] : memref<2x32768xf32, #tpu.memory_space<vmem>> -> memref<1x16384xf32, #tpu.memory_space<vmem>>
      %dma_wait3A_117 = tpu.memref_squeeze %dma_wait3A_116 : memref<1x16384xf32, #tpu.memory_space<vmem>> -> memref<16384xf32, #tpu.memory_space<vmem>>
      %dma_wait3A_118 = arith.constant 0 : i32
      %dma_wait3A_119 = tpu.memref_slice %arg2[%add3A_103, %dma_wait3A_118] : memref<128x32768xf32, #tpu.memory_space<hbm>> -> memref<1x16384xf32, #tpu.memory_space<hbm>>
      %dma_wait3A_120 = tpu.memref_squeeze %dma_wait3A_119 : memref<1x16384xf32, #tpu.memory_space<hbm>> -> memref<16384xf32, #tpu.memory_space<hbm>>
      %dma_wait3A_121 = tpu.memref_slice %arg6[%select_n3A_113, %dma_wait3A_114] : memref<2x2x!tpu.dma_semaphore, #tpu.memory_space<semaphore_mem>> -> memref<1x1x!tpu.dma_semaphore, #tpu.memory_space<semaphore_mem>>
      %dma_wait3A_122 = tpu.memref_squeeze %dma_wait3A_121 : memref<1x1x!tpu.dma_semaphore, #tpu.memory_space<semaphore_mem>> -> memref<!tpu.dma_semaphore, #tpu.memory_space<semaphore_mem>>
      %dma_wait3A_123 = arith.constant 0 : i32
      %dma_wait3A_124 = tpu.memref_slice %arg4[%select_n3A_113, %dma_wait3A_123] : memref<2x32768xf32, #tpu.memory_space<vmem>> -> memref<1x16384xf32, #tpu.memory_space<vmem>>
      %dma_wait3A_125 = tpu.memref_squeeze %dma_wait3A_124 : memref<1x16384xf32, #tpu.memory_space<vmem>> -> memref<16384xf32, #tpu.memory_space<vmem>>
      %dma_wait3A_126 = arith.constant 0 : i32
      %dma_wait3A_127 = tpu.memref_slice %arg2[%add3A_103, %dma_wait3A_126] : memref<128x32768xf32, #tpu.memory_space<hbm>> -> memref<1x16384xf32, #tpu.memory_space<hbm>>
      %dma_wait3A_128 = tpu.memref_squeeze %dma_wait3A_127 : memref<1x16384xf32, #tpu.memory_space<hbm>> -> memref<16384xf32, #tpu.memory_space<hbm>>
      tpu.wait_dma2 semaphore(%dma_wait3A_122 : memref<!tpu.dma_semaphore, #tpu.memory_space<semaphore_mem>>) src(%dma_wait3A_128 : memref<16384xf32, #tpu.memory_space<hbm>>) dst(%dma_wait3A_125 : memref<16384xf32, #tpu.memory_space<vmem>>)
      %gt3A = arith.constant 0 : i32
      %gt3A_129 = arith.cmpi sgt, %scan3A_101, %gt3A : i32
      %lt3A_130 = arith.constant 3 : i32
      %lt3A_131 = arith.cmpi slt, %scan3A_101, %lt3A_130 : i32
      %and3A_132 = arith.andi %gt3A_129, %lt3A_131 : i1
      %convert_element_type3A = arith.extui %and3A_132 : i1 to i32
      %cond3A = arith.constant 0 : i32
      %cond3A_133 = arith.cmpi ne, %convert_element_type3A, %cond3A : i32
      scf.if %cond3A_133 {
        %add3A_513 = arith.constant 1 : i32
        %add3A_514 = arith.addi %add3A_103, %add3A_513 : i32
        %sub3A_515 = arith.constant 1 : i32
        %sub3A_516 = arith.subi %sub3A_515, %select_n3A_113 : i32
        %sub3A_517 = arith.constant 1 : i32
        %sub3A_518 = arith.subi %sub3A_517, %select_n3A_113 : i32
        %dma_start3A_519 = arith.constant 0 : i32
        %dma_start3A_520 = arith.constant 0 : i32
        %dma_start3A_521 = tpu.memref_slice %arg4[%sub3A_516, %dma_start3A_520] : memref<2x32768xf32, #tpu.memory_space<vmem>> -> memref<1x16384xf32, #tpu.memory_space<vmem>>
        %dma_start3A_522 = tpu.memref_squeeze %dma_start3A_521 : memref<1x16384xf32, #tpu.memory_space<vmem>> -> memref<16384xf32, #tpu.memory_space<vmem>>
        %dma_start3A_523 = arith.constant 0 : i32
        %dma_start3A_524 = tpu.memref_slice %arg2[%add3A_514, %dma_start3A_523] : memref<128x32768xf32, #tpu.memory_space<hbm>> -> memref<1x16384xf32, #tpu.memory_space<hbm>>
        %dma_start3A_525 = tpu.memref_squeeze %dma_start3A_524 : memref<1x16384xf32, #tpu.memory_space<hbm>> -> memref<16384xf32, #tpu.memory_space<hbm>>
        %dma_start3A_526 = tpu.memref_slice %arg6[%sub3A_518, %dma_start3A_519] : memref<2x2x!tpu.dma_semaphore, #tpu.memory_space<semaphore_mem>> -> memref<1x1x!tpu.dma_semaphore, #tpu.memory_space<semaphore_mem>>
        %dma_start3A_527 = tpu.memref_squeeze %dma_start3A_526 : memref<1x1x!tpu.dma_semaphore, #tpu.memory_space<semaphore_mem>> -> memref<!tpu.dma_semaphore, #tpu.memory_space<semaphore_mem>>
        %dma_start3A_528 = arith.constant 0 : i32
        %dma_start3A_529 = tpu.memref_slice %arg4[%sub3A_516, %dma_start3A_528] : memref<2x32768xf32, #tpu.memory_space<vmem>> -> memref<1x16384xf32, #tpu.memory_space<vmem>>
        %dma_start3A_530 = tpu.memref_squeeze %dma_start3A_529 : memref<1x16384xf32, #tpu.memory_space<vmem>> -> memref<16384xf32, #tpu.memory_space<vmem>>
        %dma_start3A_531 = arith.constant 0 : i32
        %dma_start3A_532 = tpu.memref_slice %arg2[%add3A_514, %dma_start3A_531] : memref<128x32768xf32, #tpu.memory_space<hbm>> -> memref<1x16384xf32, #tpu.memory_space<hbm>>
        %dma_start3A_533 = tpu.memref_squeeze %dma_start3A_532 : memref<1x16384xf32, #tpu.memory_space<hbm>> -> memref<16384xf32, #tpu.memory_space<hbm>>
        tpu.enqueue_dma source(%dma_start3A_533 : memref<16384xf32, #tpu.memory_space<hbm>>) target(%dma_start3A_530 : memref<16384xf32, #tpu.memory_space<vmem>>) target_semaphore(%dma_start3A_527 : memref<!tpu.dma_semaphore, #tpu.memory_space<semaphore_mem>>)
        %add3A_534 = arith.constant 1 : i32
        %add3A_535 = arith.addi %add3A_103, %add3A_534 : i32
        %sub3A_536 = arith.constant 1 : i32
        %sub3A_537 = arith.subi %sub3A_536, %select_n3A_113 : i32
        %sub3A_538 = arith.constant 1 : i32
        %sub3A_539 = arith.subi %sub3A_538, %select_n3A_113 : i32
        %dma_start3A_540 = arith.constant 1 : i32
        %dma_start3A_541 = arith.constant 16384 : i32
        %dma_start3A_542 = tpu.memref_slice %arg4[%sub3A_537, %dma_start3A_541] : memref<2x32768xf32, #tpu.memory_space<vmem>> -> memref<1x16384xf32, #tpu.memory_space<vmem>>
        %dma_start3A_543 = tpu.memref_squeeze %dma_start3A_542 : memref<1x16384xf32, #tpu.memory_space<vmem>> -> memref<16384xf32, #tpu.memory_space<vmem>>
        %dma_start3A_544 = arith.constant 16384 : i32
        %dma_start3A_545 = tpu.memref_slice %arg2[%add3A_535, %dma_start3A_544] : memref<128x32768xf32, #tpu.memory_space<hbm>> -> memref<1x16384xf32, #tpu.memory_space<hbm>>
        %dma_start3A_546 = tpu.memref_squeeze %dma_start3A_545 : memref<1x16384xf32, #tpu.memory_space<hbm>> -> memref<16384xf32, #tpu.memory_space<hbm>>
        %dma_start3A_547 = tpu.memref_slice %arg6[%sub3A_539, %dma_start3A_540] : memref<2x2x!tpu.dma_semaphore, #tpu.memory_space<semaphore_mem>> -> memref<1x1x!tpu.dma_semaphore, #tpu.memory_space<semaphore_mem>>
        %dma_start3A_548 = tpu.memref_squeeze %dma_start3A_547 : memref<1x1x!tpu.dma_semaphore, #tpu.memory_space<semaphore_mem>> -> memref<!tpu.dma_semaphore, #tpu.memory_space<semaphore_mem>>
        %dma_start3A_549 = arith.constant 16384 : i32
        %dma_start3A_550 = tpu.memref_slice %arg4[%sub3A_537, %dma_start3A_549] : memref<2x32768xf32, #tpu.memory_space<vmem>> -> memref<1x16384xf32, #tpu.memory_space<vmem>>
        %dma_start3A_551 = tpu.memref_squeeze %dma_start3A_550 : memref<1x16384xf32, #tpu.memory_space<vmem>> -> memref<16384xf32, #tpu.memory_space<vmem>>
        %dma_start3A_552 = arith.constant 16384 : i32
        %dma_start3A_553 = tpu.memref_slice %arg2[%add3A_535, %dma_start3A_552] : memref<128x32768xf32, #tpu.memory_space<hbm>> -> memref<1x16384xf32, #tpu.memory_space<hbm>>
        %dma_start3A_554 = tpu.memref_squeeze %dma_start3A_553 : memref<1x16384xf32, #tpu.memory_space<hbm>> -> memref<16384xf32, #tpu.memory_space<hbm>>
        tpu.enqueue_dma source(%dma_start3A_554 : memref<16384xf32, #tpu.memory_space<hbm>>) target(%dma_start3A_551 : memref<16384xf32, #tpu.memory_space<vmem>>) target_semaphore(%dma_start3A_548 : memref<!tpu.dma_semaphore, #tpu.memory_space<semaphore_mem>>)
      } else {
      }
      %broadcast_in_dim3A_134 = arith.constant -1.000000e+30 : f32
      %broadcast_in_dim3A_135 = vector.broadcast %broadcast_in_dim3A_134 : f32 to vector<16xf32>
      %broadcast_in_dim3A_136 = arith.constant 0 : i32
      %broadcast_in_dim3A_137 = vector.broadcast %broadcast_in_dim3A_136 : i32 to vector<16xi32>
      %scan3A_138 = arith.constant 0 : i32
      %scan3A_139 = arith.constant 128 : i32
      %scan3A_140 = arith.addi %scan3A_138, %scan3A_139 : i32
      %scan3A_141 = arith.constant 2 : i32
      %scan3A_142:6 = scf.for %scan3A_513 = %scan3A_138 to %scan3A_140 step %scan3A_141 iter_args(%scan3A_514 = %broadcast_in_dim3A_135, %scan3A_515 = %broadcast_in_dim3A_135, %scan3A_516 = %broadcast_in_dim3A_135, %scan3A_517 = %broadcast_in_dim3A_137, %scan3A_518 = %broadcast_in_dim3A_137, %scan3A_519 = %broadcast_in_dim3A_137) -> (vector<16xf32>, vector<16xf32>, vector<16xf32>, vector<16xi32>, vector<16xi32>, vector<16xi32>)  : i32 {
        %mul3A_520 = arith.constant 128 : i32
        %mul3A_521 = arith.muli %scan3A_513, %mul3A_520 : i32
        %get3A = arith.index_cast %select_n3A_113 : i32 to index
        %get3A_522 = arith.index_cast %mul3A_521 : i32 to index
        %get3A_523 = tpu.vector_load %arg4[%get3A, %get3A_522] {strides = array<i32>} : memref<2x32768xf32, #tpu.memory_space<vmem>>, vector<16xf32>,
        %add3A_524 = arith.constant 16 : i32
        %add3A_525 = arith.addi %mul3A_521, %add3A_524 : i32
        %get3A_526 = arith.index_cast %select_n3A_113 : i32 to index
        %get3A_527 = arith.index_cast %add3A_525 : i32 to index
        %get3A_528 = tpu.vector_load %arg4[%get3A_526, %get3A_527] {strides = array<i32>} : memref<2x32768xf32, #tpu.memory_space<vmem>>, vector<16xf32>,
        %max3A = arith.maximumf %get3A_523, %get3A_528 : vector<16xf32>
        %add3A_529 = arith.constant 32 : i32
        %add3A_530 = arith.addi %mul3A_521, %add3A_529 : i32
        %get3A_531 = arith.index_cast %select_n3A_113 : i32 to index
        %get3A_532 = arith.index_cast %add3A_530 : i32 to index
        %get3A_533 = tpu.vector_load %arg4[%get3A_531, %get3A_532] {strides = array<i32>} : memref<2x32768xf32, #tpu.memory_space<vmem>>, vector<16xf32>,
        %max3A_534 = arith.maximumf %max3A, %get3A_533 : vector<16xf32>
        %add3A_535 = arith.constant 48 : i32
        %add3A_536 = arith.addi %mul3A_521, %add3A_535 : i32
        %get3A_537 = arith.index_cast %select_n3A_113 : i32 to index
        %get3A_538 = arith.index_cast %add3A_536 : i32 to index
        %get3A_539 = tpu.vector_load %arg4[%get3A_537, %get3A_538] {strides = array<i32>} : memref<2x32768xf32, #tpu.memory_space<vmem>>, vector<16xf32>,
        %max3A_540 = arith.maximumf %max3A_534, %get3A_539 : vector<16xf32>
        %add3A_541 = arith.constant 64 : i32
        %add3A_542 = arith.addi %mul3A_521, %add3A_541 : i32
        %get3A_543 = arith.index_cast %select_n3A_113 : i32 to index
        %get3A_544 = arith.index_cast %add3A_542 : i32 to index
        %get3A_545 = tpu.vector_load %arg4[%get3A_543, %get3A_544] {strides = array<i32>} : memref<2x32768xf32, #tpu.memory_space<vmem>>, vector<16xf32>,
        %max3A_546 = arith.maximumf %max3A_540, %get3A_545 : vector<16xf32>
        %add3A_547 = arith.constant 80 : i32
        %add3A_548 = arith.addi %mul3A_521, %add3A_547 : i32
        %get3A_549 = arith.index_cast %select_n3A_113 : i32 to index
        %get3A_550 = arith.index_cast %add3A_548 : i32 to index
        %get3A_551 = tpu.vector_load %arg4[%get3A_549, %get3A_550] {strides = array<i32>} : memref<2x32768xf32, #tpu.memory_space<vmem>>, vector<16xf32>,
        %max3A_552 = arith.maximumf %max3A_546, %get3A_551 : vector<16xf32>
        %add3A_553 = arith.constant 96 : i32
        %add3A_554 = arith.addi %mul3A_521, %add3A_553 : i32
        %get3A_555 = arith.index_cast %select_n3A_113 : i32 to index
        %get3A_556 = arith.index_cast %add3A_554 : i32 to index
        %get3A_557 = tpu.vector_load %arg4[%get3A_555, %get3A_556] {strides = array<i32>} : memref<2x32768xf32, #tpu.memory_space<vmem>>, vector<16xf32>,
        %max3A_558 = arith.maximumf %max3A_552, %get3A_557 : vector<16xf32>
        %add3A_559 = arith.constant 112 : i32
        %add3A_560 = arith.addi %mul3A_521, %add3A_559 : i32
        %get3A_561 = arith.index_cast %select_n3A_113 : i32 to index
        %get3A_562 = arith.index_cast %add3A_560 : i32 to index
        %get3A_563 = tpu.vector_load %arg4[%get3A_561, %get3A_562] {strides = array<i32>} : memref<2x32768xf32, #tpu.memory_space<vmem>>, vector<16xf32>,
        %max3A_564 = arith.maximumf %max3A_558, %get3A_563 : vector<16xf32>
        %gt3A_565 = arith.cmpf ogt, %max3A_564, %scan3A_514 : vector<16xf32>
        %gt3A_566 = arith.cmpf ogt, %max3A_564, %scan3A_515 : vector<16xf32>
        %gt3A_567 = arith.cmpf ogt, %max3A_564, %scan3A_516 : vector<16xf32>
        %select_n3A_568 = arith.select %gt3A_567, %max3A_564, %scan3A_516 : vector<16xi1>, vector<16xf32>
        %select_n3A_569 = arith.select %gt3A_566, %scan3A_515, %select_n3A_568 : vector<16xi1>, vector<16xf32>
        %broadcast_in_dim3A_570 = vector.broadcast %scan3A_513 : i32 to vector<16xi32>
        %select_n3A_571 = arith.select %gt3A_567, %broadcast_in_dim3A_570, %scan3A_519 : vector<16xi1>, vector<16xi32>
        %select_n3A_572 = arith.select %gt3A_566, %scan3A_518, %select_n3A_571 : vector<16xi1>, vector<16xi32>
        %select_n3A_573 = arith.select %gt3A_566, %max3A_564, %scan3A_515 : vector<16xi1>, vector<16xf32>
        %select_n3A_574 = arith.select %gt3A_565, %scan3A_514, %select_n3A_573 : vector<16xi1>, vector<16xf32>
        %broadcast_in_dim3A_575 = vector.broadcast %scan3A_513 : i32 to vector<16xi32>
        %select_n3A_576 = arith.select %gt3A_566, %broadcast_in_dim3A_575, %scan3A_518 : vector<16xi1>, vector<16xi32>
        %select_n3A_577 = arith.select %gt3A_565, %scan3A_517, %select_n3A_576 : vector<16xi1>, vector<16xi32>
        %select_n3A_578 = arith.select %gt3A_565, %max3A_564, %scan3A_514 : vector<16xi1>, vector<16xf32>
        %broadcast_in_dim3A_579 = vector.broadcast %scan3A_513 : i32 to vector<16xi32>
        %select_n3A_580 = arith.select %gt3A_565, %broadcast_in_dim3A_579, %scan3A_517 : vector<16xi1>, vector<16xi32>
        %scan3A_581 = arith.constant 1 : i32
        %scan3A_582 = arith.addi %scan3A_513, %scan3A_581 : i32
        %mul3A_583 = arith.constant 128 : i32
        %mul3A_584 = arith.muli %scan3A_582, %mul3A_583 : i32
        %get3A_585 = arith.index_cast %select_n3A_113 : i32 to index
        %get3A_586 = arith.index_cast %mul3A_584 : i32 to index
        %get3A_587 = tpu.vector_load %arg4[%get3A_585, %get3A_586] {strides = array<i32>} : memref<2x32768xf32, #tpu.memory_space<vmem>>, vector<16xf32>,
        %add3A_588 = arith.constant 16 : i32
        %add3A_589 = arith.addi %mul3A_584, %add3A_588 : i32
        %get3A_590 = arith.index_cast %select_n3A_113 : i32 to index
        %get3A_591 = arith.index_cast %add3A_589 : i32 to index
        %get3A_592 = tpu.vector_load %arg4[%get3A_590, %get3A_591] {strides = array<i32>} : memref<2x32768xf32, #tpu.memory_space<vmem>>, vector<16xf32>,
        %max3A_593 = arith.maximumf %get3A_587, %get3A_592 : vector<16xf32>
        %add3A_594 = arith.constant 32 : i32
        %add3A_595 = arith.addi %mul3A_584, %add3A_594 : i32
        %get3A_596 = arith.index_cast %select_n3A_113 : i32 to index
        %get3A_597 = arith.index_cast %add3A_595 : i32 to index
        %get3A_598 = tpu.vector_load %arg4[%get3A_596, %get3A_597] {strides = array<i32>} : memref<2x32768xf32, #tpu.memory_space<vmem>>, vector<16xf32>,
        %max3A_599 = arith.maximumf %max3A_593, %get3A_598 : vector<16xf32>
        %add3A_600 = arith.constant 48 : i32
        %add3A_601 = arith.addi %mul3A_584, %add3A_600 : i32
        %get3A_602 = arith.index_cast %select_n3A_113 : i32 to index
        %get3A_603 = arith.index_cast %add3A_601 : i32 to index
        %get3A_604 = tpu.vector_load %arg4[%get3A_602, %get3A_603] {strides = array<i32>} : memref<2x32768xf32, #tpu.memory_space<vmem>>, vector<16xf32>,
        %max3A_605 = arith.maximumf %max3A_599, %get3A_604 : vector<16xf32>
        %add3A_606 = arith.constant 64 : i32
        %add3A_607 = arith.addi %mul3A_584, %add3A_606 : i32
        %get3A_608 = arith.index_cast %select_n3A_113 : i32 to index
        %get3A_609 = arith.index_cast %add3A_607 : i32 to index
        %get3A_610 = tpu.vector_load %arg4[%get3A_608, %get3A_609] {strides = array<i32>} : memref<2x32768xf32, #tpu.memory_space<vmem>>, vector<16xf32>,
        %max3A_611 = arith.maximumf %max3A_605, %get3A_610 : vector<16xf32>
        %add3A_612 = arith.constant 80 : i32
        %add3A_613 = arith.addi %mul3A_584, %add3A_612 : i32
        %get3A_614 = arith.index_cast %select_n3A_113 : i32 to index
        %get3A_615 = arith.index_cast %add3A_613 : i32 to index
        %get3A_616 = tpu.vector_load %arg4[%get3A_614, %get3A_615] {strides = array<i32>} : memref<2x32768xf32, #tpu.memory_space<vmem>>, vector<16xf32>,
        %max3A_617 = arith.maximumf %max3A_611, %get3A_616 : vector<16xf32>
        %add3A_618 = arith.constant 96 : i32
        %add3A_619 = arith.addi %mul3A_584, %add3A_618 : i32
        %get3A_620 = arith.index_cast %select_n3A_113 : i32 to index
        %get3A_621 = arith.index_cast %add3A_619 : i32 to index
        %get3A_622 = tpu.vector_load %arg4[%get3A_620, %get3A_621] {strides = array<i32>} : memref<2x32768xf32, #tpu.memory_space<vmem>>, vector<16xf32>,
        %max3A_623 = arith.maximumf %max3A_617, %get3A_622 : vector<16xf32>
        %add3A_624 = arith.constant 112 : i32
        %add3A_625 = arith.addi %mul3A_584, %add3A_624 : i32
        %get3A_626 = arith.index_cast %select_n3A_113 : i32 to index
        %get3A_627 = arith.index_cast %add3A_625 : i32 to index
        %get3A_628 = tpu.vector_load %arg4[%get3A_626, %get3A_627] {strides = array<i32>} : memref<2x32768xf32, #tpu.memory_space<vmem>>, vector<16xf32>,
        %max3A_629 = arith.maximumf %max3A_623, %get3A_628 : vector<16xf32>
        %gt3A_630 = arith.cmpf ogt, %max3A_629, %select_n3A_578 : vector<16xf32>
        %gt3A_631 = arith.cmpf ogt, %max3A_629, %select_n3A_574 : vector<16xf32>
        %gt3A_632 = arith.cmpf ogt, %max3A_629, %select_n3A_569 : vector<16xf32>
        %select_n3A_633 = arith.select %gt3A_632, %max3A_629, %select_n3A_569 : vector<16xi1>, vector<16xf32>
        %select_n3A_634 = arith.select %gt3A_631, %select_n3A_574, %select_n3A_633 : vector<16xi1>, vector<16xf32>
        %broadcast_in_dim3A_635 = vector.broadcast %scan3A_582 : i32 to vector<16xi32>
        %select_n3A_636 = arith.select %gt3A_632, %broadcast_in_dim3A_635, %select_n3A_572 : vector<16xi1>, vector<16xi32>
        %select_n3A_637 = arith.select %gt3A_631, %select_n3A_577, %select_n3A_636 : vector<16xi1>, vector<16xi32>
        %select_n3A_638 = arith.select %gt3A_631, %max3A_629, %select_n3A_574 : vector<16xi1>, vector<16xf32>
        %select_n3A_639 = arith.select %gt3A_630, %select_n3A_578, %select_n3A_638 : vector<16xi1>, vector<16xf32>
        %broadcast_in_dim3A_640 = vector.broadcast %scan3A_582 : i32 to vector<16xi32>
        %select_n3A_641 = arith.select %gt3A_631, %broadcast_in_dim3A_640, %select_n3A_577 : vector<16xi1>, vector<16xi32>
        %select_n3A_642 = arith.select %gt3A_630, %select_n3A_580, %select_n3A_641 : vector<16xi1>, vector<16xi32>
        %select_n3A_643 = arith.select %gt3A_630, %max3A_629, %select_n3A_578 : vector<16xi1>, vector<16xf32>
        %broadcast_in_dim3A_644 = vector.broadcast %scan3A_582 : i32 to vector<16xi32>
        %select_n3A_645 = arith.select %gt3A_630, %broadcast_in_dim3A_644, %select_n3A_580 : vector<16xi1>, vector<16xi32>
        scf.yield %select_n3A_643, %select_n3A_639, %select_n3A_634, %select_n3A_645, %select_n3A_642, %select_n3A_637 : vector<16xf32>, vector<16xf32>, vector<16xf32>, vector<16xi32>, vector<16xi32>, vector<16xi32>
      }
      %scan3A_143 = arith.constant 128 : i32
      %dma_wait3A_144 = arith.constant 1 : i32
      %dma_wait3A_145 = arith.constant 16384 : i32
      %dma_wait3A_146 = tpu.memref_slice %arg4[%select_n3A_113, %dma_wait3A_145] : memref<2x32768xf32, #tpu.memory_space<vmem>> -> memref<1x16384xf32, #tpu.memory_space<vmem>>
      %dma_wait3A_147 = tpu.memref_squeeze %dma_wait3A_146 : memref<1x16384xf32, #tpu.memory_space<vmem>> -> memref<16384xf32, #tpu.memory_space<vmem>>
      %dma_wait3A_148 = arith.constant 16384 : i32
      %dma_wait3A_149 = tpu.memref_slice %arg2[%add3A_103, %dma_wait3A_148] : memref<128x32768xf32, #tpu.memory_space<hbm>> -> memref<1x16384xf32, #tpu.memory_space<hbm>>
      %dma_wait3A_150 = tpu.memref_squeeze %dma_wait3A_149 : memref<1x16384xf32, #tpu.memory_space<hbm>> -> memref<16384xf32, #tpu.memory_space<hbm>>
      %dma_wait3A_151 = tpu.memref_slice %arg6[%select_n3A_113, %dma_wait3A_144] : memref<2x2x!tpu.dma_semaphore, #tpu.memory_space<semaphore_mem>> -> memref<1x1x!tpu.dma_semaphore, #tpu.memory_space<semaphore_mem>>
      %dma_wait3A_152 = tpu.memref_squeeze %dma_wait3A_151 : memref<1x1x!tpu.dma_semaphore, #tpu.memory_space<semaphore_mem>> -> memref<!tpu.dma_semaphore, #tpu.memory_space<semaphore_mem>>
      %dma_wait3A_153 = arith.constant 16384 : i32
      %dma_wait3A_154 = tpu.memref_slice %arg4[%select_n3A_113, %dma_wait3A_153] : memref<2x32768xf32, #tpu.memory_space<vmem>> -> memref<1x16384xf32, #tpu.memory_space<vmem>>
      %dma_wait3A_155 = tpu.memref_squeeze %dma_wait3A_154 : memref<1x16384xf32, #tpu.memory_space<vmem>> -> memref<16384xf32, #tpu.memory_space<vmem>>
      %dma_wait3A_156 = arith.constant 16384 : i32
      %dma_wait3A_157 = tpu.memref_slice %arg2[%add3A_103, %dma_wait3A_156] : memref<128x32768xf32, #tpu.memory_space<hbm>> -> memref<1x16384xf32, #tpu.memory_space<hbm>>
      %dma_wait3A_158 = tpu.memref_squeeze %dma_wait3A_157 : memref<1x16384xf32, #tpu.memory_space<hbm>> -> memref<16384xf32, #tpu.memory_space<hbm>>
      tpu.wait_dma2 semaphore(%dma_wait3A_152 : memref<!tpu.dma_semaphore, #tpu.memory_space<semaphore_mem>>) src(%dma_wait3A_158 : memref<16384xf32, #tpu.memory_space<hbm>>) dst(%dma_wait3A_155 : memref<16384xf32, #tpu.memory_space<vmem>>)
      %scan3A_159 = arith.constant 128 : i32
      %scan3A_160 = arith.constant 128 : i32
      %scan3A_161 = arith.addi %scan3A_159, %scan3A_160 : i32
      %scan3A_162 = arith.constant 2 : i32
      %scan3A_163:6 = scf.for %scan3A_513 = %scan3A_159 to %scan3A_161 step %scan3A_162 iter_args(%scan3A_514 = %scan3A_142#0, %scan3A_515 = %scan3A_142#1, %scan3A_516 = %scan3A_142#2, %scan3A_517 = %scan3A_142#3, %scan3A_518 = %scan3A_142#4, %scan3A_519 = %scan3A_142#5) -> (vector<16xf32>, vector<16xf32>, vector<16xf32>, vector<16xi32>, vector<16xi32>, vector<16xi32>)  : i32 {
        %mul3A_520 = arith.constant 128 : i32
        %mul3A_521 = arith.muli %scan3A_513, %mul3A_520 : i32
        %get3A = arith.index_cast %select_n3A_113 : i32 to index
        %get3A_522 = arith.index_cast %mul3A_521 : i32 to index
        %get3A_523 = tpu.vector_load %arg4[%get3A, %get3A_522] {strides = array<i32>} : memref<2x32768xf32, #tpu.memory_space<vmem>>, vector<16xf32>,
        %add3A_524 = arith.constant 16 : i32
        %add3A_525 = arith.addi %mul3A_521, %add3A_524 : i32
        %get3A_526 = arith.index_cast %select_n3A_113 : i32 to index
        %get3A_527 = arith.index_cast %add3A_525 : i32 to index
        %get3A_528 = tpu.vector_load %arg4[%get3A_526, %get3A_527] {strides = array<i32>} : memref<2x32768xf32, #tpu.memory_space<vmem>>, vector<16xf32>,
        %max3A = arith.maximumf %get3A_523, %get3A_528 : vector<16xf32>
        %add3A_529 = arith.constant 32 : i32
        %add3A_530 = arith.addi %mul3A_521, %add3A_529 : i32
        %get3A_531 = arith.index_cast %select_n3A_113 : i32 to index
        %get3A_532 = arith.index_cast %add3A_530 : i32 to index
        %get3A_533 = tpu.vector_load %arg4[%get3A_531, %get3A_532] {strides = array<i32>} : memref<2x32768xf32, #tpu.memory_space<vmem>>, vector<16xf32>,
        %max3A_534 = arith.maximumf %max3A, %get3A_533 : vector<16xf32>
        %add3A_535 = arith.constant 48 : i32
        %add3A_536 = arith.addi %mul3A_521, %add3A_535 : i32
        %get3A_537 = arith.index_cast %select_n3A_113 : i32 to index
        %get3A_538 = arith.index_cast %add3A_536 : i32 to index
        %get3A_539 = tpu.vector_load %arg4[%get3A_537, %get3A_538] {strides = array<i32>} : memref<2x32768xf32, #tpu.memory_space<vmem>>, vector<16xf32>,
        %max3A_540 = arith.maximumf %max3A_534, %get3A_539 : vector<16xf32>
        %add3A_541 = arith.constant 64 : i32
        %add3A_542 = arith.addi %mul3A_521, %add3A_541 : i32
        %get3A_543 = arith.index_cast %select_n3A_113 : i32 to index
        %get3A_544 = arith.index_cast %add3A_542 : i32 to index
        %get3A_545 = tpu.vector_load %arg4[%get3A_543, %get3A_544] {strides = array<i32>} : memref<2x32768xf32, #tpu.memory_space<vmem>>, vector<16xf32>,
        %max3A_546 = arith.maximumf %max3A_540, %get3A_545 : vector<16xf32>
        %add3A_547 = arith.constant 80 : i32
        %add3A_548 = arith.addi %mul3A_521, %add3A_547 : i32
        %get3A_549 = arith.index_cast %select_n3A_113 : i32 to index
        %get3A_550 = arith.index_cast %add3A_548 : i32 to index
        %get3A_551 = tpu.vector_load %arg4[%get3A_549, %get3A_550] {strides = array<i32>} : memref<2x32768xf32, #tpu.memory_space<vmem>>, vector<16xf32>,
        %max3A_552 = arith.maximumf %max3A_546, %get3A_551 : vector<16xf32>
        %add3A_553 = arith.constant 96 : i32
        %add3A_554 = arith.addi %mul3A_521, %add3A_553 : i32
        %get3A_555 = arith.index_cast %select_n3A_113 : i32 to index
        %get3A_556 = arith.index_cast %add3A_554 : i32 to index
        %get3A_557 = tpu.vector_load %arg4[%get3A_555, %get3A_556] {strides = array<i32>} : memref<2x32768xf32, #tpu.memory_space<vmem>>, vector<16xf32>,
        %max3A_558 = arith.maximumf %max3A_552, %get3A_557 : vector<16xf32>
        %add3A_559 = arith.constant 112 : i32
        %add3A_560 = arith.addi %mul3A_521, %add3A_559 : i32
        %get3A_561 = arith.index_cast %select_n3A_113 : i32 to index
        %get3A_562 = arith.index_cast %add3A_560 : i32 to index
        %get3A_563 = tpu.vector_load %arg4[%get3A_561, %get3A_562] {strides = array<i32>} : memref<2x32768xf32, #tpu.memory_space<vmem>>, vector<16xf32>,
        %max3A_564 = arith.maximumf %max3A_558, %get3A_563 : vector<16xf32>
        %gt3A_565 = arith.cmpf ogt, %max3A_564, %scan3A_514 : vector<16xf32>
        %gt3A_566 = arith.cmpf ogt, %max3A_564, %scan3A_515 : vector<16xf32>
        %gt3A_567 = arith.cmpf ogt, %max3A_564, %scan3A_516 : vector<16xf32>
        %select_n3A_568 = arith.select %gt3A_567, %max3A_564, %scan3A_516 : vector<16xi1>, vector<16xf32>
        %select_n3A_569 = arith.select %gt3A_566, %scan3A_515, %select_n3A_568 : vector<16xi1>, vector<16xf32>
        %broadcast_in_dim3A_570 = vector.broadcast %scan3A_513 : i32 to vector<16xi32>
        %select_n3A_571 = arith.select %gt3A_567, %broadcast_in_dim3A_570, %scan3A_519 : vector<16xi1>, vector<16xi32>
        %select_n3A_572 = arith.select %gt3A_566, %scan3A_518, %select_n3A_571 : vector<16xi1>, vector<16xi32>
        %select_n3A_573 = arith.select %gt3A_566, %max3A_564, %scan3A_515 : vector<16xi1>, vector<16xf32>
        %select_n3A_574 = arith.select %gt3A_565, %scan3A_514, %select_n3A_573 : vector<16xi1>, vector<16xf32>
        %broadcast_in_dim3A_575 = vector.broadcast %scan3A_513 : i32 to vector<16xi32>
        %select_n3A_576 = arith.select %gt3A_566, %broadcast_in_dim3A_575, %scan3A_518 : vector<16xi1>, vector<16xi32>
        %select_n3A_577 = arith.select %gt3A_565, %scan3A_517, %select_n3A_576 : vector<16xi1>, vector<16xi32>
        %select_n3A_578 = arith.select %gt3A_565, %max3A_564, %scan3A_514 : vector<16xi1>, vector<16xf32>
        %broadcast_in_dim3A_579 = vector.broadcast %scan3A_513 : i32 to vector<16xi32>
        %select_n3A_580 = arith.select %gt3A_565, %broadcast_in_dim3A_579, %scan3A_517 : vector<16xi1>, vector<16xi32>
        %scan3A_581 = arith.constant 1 : i32
        %scan3A_582 = arith.addi %scan3A_513, %scan3A_581 : i32
        %mul3A_583 = arith.constant 128 : i32
        %mul3A_584 = arith.muli %scan3A_582, %mul3A_583 : i32
        %get3A_585 = arith.index_cast %select_n3A_113 : i32 to index
        %get3A_586 = arith.index_cast %mul3A_584 : i32 to index
        %get3A_587 = tpu.vector_load %arg4[%get3A_585, %get3A_586] {strides = array<i32>} : memref<2x32768xf32, #tpu.memory_space<vmem>>, vector<16xf32>,
        %add3A_588 = arith.constant 16 : i32
        %add3A_589 = arith.addi %mul3A_584, %add3A_588 : i32
        %get3A_590 = arith.index_cast %select_n3A_113 : i32 to index
        %get3A_591 = arith.index_cast %add3A_589 : i32 to index
        %get3A_592 = tpu.vector_load %arg4[%get3A_590, %get3A_591] {strides = array<i32>} : memref<2x32768xf32, #tpu.memory_space<vmem>>, vector<16xf32>,
        %max3A_593 = arith.maximumf %get3A_587, %get3A_592 : vector<16xf32>
        %add3A_594 = arith.constant 32 : i32
        %add3A_595 = arith.addi %mul3A_584, %add3A_594 : i32
        %get3A_596 = arith.index_cast %select_n3A_113 : i32 to index
        %get3A_597 = arith.index_cast %add3A_595 : i32 to index
        %get3A_598 = tpu.vector_load %arg4[%get3A_596, %get3A_597] {strides = array<i32>} : memref<2x32768xf32, #tpu.memory_space<vmem>>, vector<16xf32>,
        %max3A_599 = arith.maximumf %max3A_593, %get3A_598 : vector<16xf32>
        %add3A_600 = arith.constant 48 : i32
        %add3A_601 = arith.addi %mul3A_584, %add3A_600 : i32
        %get3A_602 = arith.index_cast %select_n3A_113 : i32 to index
        %get3A_603 = arith.index_cast %add3A_601 : i32 to index
        %get3A_604 = tpu.vector_load %arg4[%get3A_602, %get3A_603] {strides = array<i32>} : memref<2x32768xf32, #tpu.memory_space<vmem>>, vector<16xf32>,
        %max3A_605 = arith.maximumf %max3A_599, %get3A_604 : vector<16xf32>
        %add3A_606 = arith.constant 64 : i32
        %add3A_607 = arith.addi %mul3A_584, %add3A_606 : i32
        %get3A_608 = arith.index_cast %select_n3A_113 : i32 to index
        %get3A_609 = arith.index_cast %add3A_607 : i32 to index
        %get3A_610 = tpu.vector_load %arg4[%get3A_608, %get3A_609] {strides = array<i32>} : memref<2x32768xf32, #tpu.memory_space<vmem>>, vector<16xf32>,
        %max3A_611 = arith.maximumf %max3A_605, %get3A_610 : vector<16xf32>
        %add3A_612 = arith.constant 80 : i32
        %add3A_613 = arith.addi %mul3A_584, %add3A_612 : i32
        %get3A_614 = arith.index_cast %select_n3A_113 : i32 to index
        %get3A_615 = arith.index_cast %add3A_613 : i32 to index
        %get3A_616 = tpu.vector_load %arg4[%get3A_614, %get3A_615] {strides = array<i32>} : memref<2x32768xf32, #tpu.memory_space<vmem>>, vector<16xf32>,
        %max3A_617 = arith.maximumf %max3A_611, %get3A_616 : vector<16xf32>
        %add3A_618 = arith.constant 96 : i32
        %add3A_619 = arith.addi %mul3A_584, %add3A_618 : i32
        %get3A_620 = arith.index_cast %select_n3A_113 : i32 to index
        %get3A_621 = arith.index_cast %add3A_619 : i32 to index
        %get3A_622 = tpu.vector_load %arg4[%get3A_620, %get3A_621] {strides = array<i32>} : memref<2x32768xf32, #tpu.memory_space<vmem>>, vector<16xf32>,
        %max3A_623 = arith.maximumf %max3A_617, %get3A_622 : vector<16xf32>
        %add3A_624 = arith.constant 112 : i32
        %add3A_625 = arith.addi %mul3A_584, %add3A_624 : i32
        %get3A_626 = arith.index_cast %select_n3A_113 : i32 to index
        %get3A_627 = arith.index_cast %add3A_625 : i32 to index
        %get3A_628 = tpu.vector_load %arg4[%get3A_626, %get3A_627] {strides = array<i32>} : memref<2x32768xf32, #tpu.memory_space<vmem>>, vector<16xf32>,
        %max3A_629 = arith.maximumf %max3A_623, %get3A_628 : vector<16xf32>
        %gt3A_630 = arith.cmpf ogt, %max3A_629, %select_n3A_578 : vector<16xf32>
        %gt3A_631 = arith.cmpf ogt, %max3A_629, %select_n3A_574 : vector<16xf32>
        %gt3A_632 = arith.cmpf ogt, %max3A_629, %select_n3A_569 : vector<16xf32>
        %select_n3A_633 = arith.select %gt3A_632, %max3A_629, %select_n3A_569 : vector<16xi1>, vector<16xf32>
        %select_n3A_634 = arith.select %gt3A_631, %select_n3A_574, %select_n3A_633 : vector<16xi1>, vector<16xf32>
        %broadcast_in_dim3A_635 = vector.broadcast %scan3A_582 : i32 to vector<16xi32>
        %select_n3A_636 = arith.select %gt3A_632, %broadcast_in_dim3A_635, %select_n3A_572 : vector<16xi1>, vector<16xi32>
        %select_n3A_637 = arith.select %gt3A_631, %select_n3A_577, %select_n3A_636 : vector<16xi1>, vector<16xi32>
        %select_n3A_638 = arith.select %gt3A_631, %max3A_629, %select_n3A_574 : vector<16xi1>, vector<16xf32>
        %select_n3A_639 = arith.select %gt3A_630, %select_n3A_578, %select_n3A_638 : vector<16xi1>, vector<16xf32>
        %broadcast_in_dim3A_640 = vector.broadcast %scan3A_582 : i32 to vector<16xi32>
        %select_n3A_641 = arith.select %gt3A_631, %broadcast_in_dim3A_640, %select_n3A_577 : vector<16xi1>, vector<16xi32>
        %select_n3A_642 = arith.select %gt3A_630, %select_n3A_580, %select_n3A_641 : vector<16xi1>, vector<16xi32>
        %select_n3A_643 = arith.select %gt3A_630, %max3A_629, %select_n3A_578 : vector<16xi1>, vector<16xf32>
        %broadcast_in_dim3A_644 = vector.broadcast %scan3A_582 : i32 to vector<16xi32>
        %select_n3A_645 = arith.select %gt3A_630, %broadcast_in_dim3A_644, %select_n3A_580 : vector<16xi1>, vector<16xi32>
        scf.yield %select_n3A_643, %select_n3A_639, %select_n3A_634, %select_n3A_645, %select_n3A_642, %select_n3A_637 : vector<16xf32>, vector<16xf32>, vector<16xf32>, vector<16xi32>, vector<16xi32>, vector<16xi32>
      }
      %scan3A_164 = arith.constant 128 : i32
      %reduce_max3A = arith.constant true
      %reduce_max3A_165 = vector.broadcast %reduce_max3A : i1 to vector<16xi1>
      %reduce_max3A_166 = tpu.scan <max>, %scan3A_163#0 masked %reduce_max3A_165 : vector<16xf32>, vector<16xi1> -> vector<16xf32>
      %reduce_max3A_167 = vector.extract %reduce_max3A_166[15] : f32 from vector<16xf32>
      %eq3A_168 = vector.broadcast %reduce_max3A_167 : f32 to vector<16xf32>
      %eq3A_169 = arith.cmpf oeq, %scan3A_163#0, %eq3A_168 : vector<16xf32>
      %mul3A_170 = arith.constant 16 : i32
      %mul3A_171 = vector.broadcast %mul3A_170 : i32 to vector<16xi32>
      %mul3A_172 = arith.muli %scan3A_163#3, %mul3A_171 : vector<16xi32>
      %iota3A_173 = tpu.iota {dimensions = array<i32: 0>} : vector<16xi32>
      %add3A_174 = arith.addi %mul3A_172, %iota3A_173 : vector<16xi32>
      %jit3A_175 = arith.constant 2147483647 : i32
      %broadcast_in_dim3A_176 = vector.broadcast %jit3A_175 : i32 to vector<16xi32>
      %select_n3A_177 = arith.select %eq3A_169, %add3A_174, %broadcast_in_dim3A_176 : vector<16xi1>, vector<16xi32>
      %reduce_min3A = arith.constant true
      %reduce_min3A_178 = vector.broadcast %reduce_min3A : i1 to vector<16xi1>
      %reduce_min3A_179 = arith.constant -2147483648 : i32
      %reduce_min3A_180 = vector.broadcast %reduce_min3A_179 : i32 to vector<16xi32>
      %reduce_min3A_181 = arith.xori %select_n3A_177, %reduce_min3A_180 : vector<16xi32>
      %reduce_min3A_182 = tpu.scan <min>, %reduce_min3A_181 masked %reduce_min3A_178 : vector<16xi32>, vector<16xi1> -> vector<16xi32>
      %reduce_min3A_183 = arith.xori %reduce_min3A_182, %reduce_min3A_180 : vector<16xi32>
      %reduce_min3A_184 = vector.extract %reduce_min3A_183[15] : i32 from vector<16xi32>
      %eq3A_185 = vector.broadcast %reduce_min3A_184 : i32 to vector<16xi32>
      %eq3A_186 = arith.cmpi eq, %add3A_174, %eq3A_185 : vector<16xi32>
      %and3A_187 = arith.andi %eq3A_169, %eq3A_186 : vector<16xi1>
      %select_n3A_188 = arith.select %and3A_187, %scan3A_163#1, %scan3A_163#0 : vector<16xi1>, vector<16xf32>
      %select_n3A_189 = arith.select %and3A_187, %scan3A_163#4, %scan3A_163#3 : vector<16xi1>, vector<16xi32>
      %select_n3A_190 = arith.select %and3A_187, %scan3A_163#2, %scan3A_163#1 : vector<16xi1>, vector<16xf32>
      %select_n3A_191 = arith.select %and3A_187, %scan3A_163#5, %scan3A_163#4 : vector<16xi1>, vector<16xi32>
      %jit3A_192 = arith.constant -1.000000e+30 : f32
      %broadcast_in_dim3A_193 = vector.broadcast %jit3A_192 : f32 to vector<16xf32>
      %select_n3A_194 = arith.select %and3A_187, %broadcast_in_dim3A_193, %scan3A_163#2 : vector<16xi1>, vector<16xf32>
      %shift_right_logical3A = arith.constant 4 : i32
      %shift_right_logical3A_195 = arith.shrui %reduce_min3A_184, %shift_right_logical3A : i32
      %reduce_max3A_196 = arith.constant true
      %reduce_max3A_197 = vector.broadcast %reduce_max3A_196 : i1 to vector<16xi1>
      %reduce_max3A_198 = tpu.scan <max>, %select_n3A_188 masked %reduce_max3A_197 : vector<16xf32>, vector<16xi1> -> vector<16xf32>
      %reduce_max3A_199 = vector.extract %reduce_max3A_198[15] : f32 from vector<16xf32>
      %eq3A_200 = vector.broadcast %reduce_max3A_199 : f32 to vector<16xf32>
      %eq3A_201 = arith.cmpf oeq, %select_n3A_188, %eq3A_200 : vector<16xf32>
      %mul3A_202 = arith.constant 16 : i32
      %mul3A_203 = vector.broadcast %mul3A_202 : i32 to vector<16xi32>
      %mul3A_204 = arith.muli %select_n3A_189, %mul3A_203 : vector<16xi32>
      %iota3A_205 = tpu.iota {dimensions = array<i32: 0>} : vector<16xi32>
      %add3A_206 = arith.addi %mul3A_204, %iota3A_205 : vector<16xi32>
      %jit3A_207 = arith.constant 2147483647 : i32
      %broadcast_in_dim3A_208 = vector.broadcast %jit3A_207 : i32 to vector<16xi32>
      %select_n3A_209 = arith.select %eq3A_201, %add3A_206, %broadcast_in_dim3A_208 : vector<16xi1>, vector<16xi32>
      %reduce_min3A_210 = arith.constant true
      %reduce_min3A_211 = vector.broadcast %reduce_min3A_210 : i1 to vector<16xi1>
      %reduce_min3A_212 = arith.constant -2147483648 : i32
      %reduce_min3A_213 = vector.broadcast %reduce_min3A_212 : i32 to vector<16xi32>
      %reduce_min3A_214 = arith.xori %select_n3A_209, %reduce_min3A_213 : vector<16xi32>
      %reduce_min3A_215 = tpu.scan <min>, %reduce_min3A_214 masked %reduce_min3A_211 : vector<16xi32>, vector<16xi1> -> vector<16xi32>
      %reduce_min3A_216 = arith.xori %reduce_min3A_215, %reduce_min3A_213 : vector<16xi32>
      %reduce_min3A_217 = vector.extract %reduce_min3A_216[15] : i32 from vector<16xi32>
      %eq3A_218 = vector.broadcast %reduce_min3A_217 : i32 to vector<16xi32>
      %eq3A_219 = arith.cmpi eq, %add3A_206, %eq3A_218 : vector<16xi32>
      %and3A_220 = arith.andi %eq3A_201, %eq3A_219 : vector<16xi1>
      %select_n3A_221 = arith.select %and3A_220, %select_n3A_190, %select_n3A_188 : vector<16xi1>, vector<16xf32>
      %select_n3A_222 = arith.select %and3A_220, %select_n3A_191, %select_n3A_189 : vector<16xi1>, vector<16xi32>
      %select_n3A_223 = arith.select %and3A_220, %select_n3A_194, %select_n3A_190 : vector<16xi1>, vector<16xf32>
      %select_n3A_224 = arith.select %and3A_220, %scan3A_163#5, %select_n3A_191 : vector<16xi1>, vector<16xi32>
      %jit3A_225 = arith.constant -1.000000e+30 : f32
      %broadcast_in_dim3A_226 = vector.broadcast %jit3A_225 : f32 to vector<16xf32>
      %select_n3A_227 = arith.select %and3A_220, %broadcast_in_dim3A_226, %select_n3A_194 : vector<16xi1>, vector<16xf32>
      %shift_right_logical3A_228 = arith.constant 4 : i32
      %shift_right_logical3A_229 = arith.shrui %reduce_min3A_217, %shift_right_logical3A_228 : i32
      %reduce_max3A_230 = arith.constant true
      %reduce_max3A_231 = vector.broadcast %reduce_max3A_230 : i1 to vector<16xi1>
      %reduce_max3A_232 = tpu.scan <max>, %select_n3A_221 masked %reduce_max3A_231 : vector<16xf32>, vector<16xi1> -> vector<16xf32>
      %reduce_max3A_233 = vector.extract %reduce_max3A_232[15] : f32 from vector<16xf32>
      %eq3A_234 = vector.broadcast %reduce_max3A_233 : f32 to vector<16xf32>
      %eq3A_235 = arith.cmpf oeq, %select_n3A_221, %eq3A_234 : vector<16xf32>
      %mul3A_236 = arith.constant 16 : i32
      %mul3A_237 = vector.broadcast %mul3A_236 : i32 to vector<16xi32>
      %mul3A_238 = arith.muli %select_n3A_222, %mul3A_237 : vector<16xi32>
      %iota3A_239 = tpu.iota {dimensions = array<i32: 0>} : vector<16xi32>
      %add3A_240 = arith.addi %mul3A_238, %iota3A_239 : vector<16xi32>
      %jit3A_241 = arith.constant 2147483647 : i32
      %broadcast_in_dim3A_242 = vector.broadcast %jit3A_241 : i32 to vector<16xi32>
      %select_n3A_243 = arith.select %eq3A_235, %add3A_240, %broadcast_in_dim3A_242 : vector<16xi1>, vector<16xi32>
      %reduce_min3A_244 = arith.constant true
      %reduce_min3A_245 = vector.broadcast %reduce_min3A_244 : i1 to vector<16xi1>
      %reduce_min3A_246 = arith.constant -2147483648 : i32
      %reduce_min3A_247 = vector.broadcast %reduce_min3A_246 : i32 to vector<16xi32>
      %reduce_min3A_248 = arith.xori %select_n3A_243, %reduce_min3A_247 : vector<16xi32>
      %reduce_min3A_249 = tpu.scan <min>, %reduce_min3A_248 masked %reduce_min3A_245 : vector<16xi32>, vector<16xi1> -> vector<16xi32>
      %reduce_min3A_250 = arith.xori %reduce_min3A_249, %reduce_min3A_247 : vector<16xi32>
      %reduce_min3A_251 = vector.extract %reduce_min3A_250[15] : i32 from vector<16xi32>
      %eq3A_252 = vector.broadcast %reduce_min3A_251 : i32 to vector<16xi32>
      %eq3A_253 = arith.cmpi eq, %add3A_240, %eq3A_252 : vector<16xi32>
      %and3A_254 = arith.andi %eq3A_235, %eq3A_253 : vector<16xi1>
      %select_n3A_255 = arith.select %and3A_254, %select_n3A_223, %select_n3A_221 : vector<16xi1>, vector<16xf32>
      %select_n3A_256 = arith.select %and3A_254, %select_n3A_224, %select_n3A_222 : vector<16xi1>, vector<16xi32>
      %select_n3A_257 = arith.select %and3A_254, %select_n3A_227, %select_n3A_223 : vector<16xi1>, vector<16xf32>
      %select_n3A_258 = arith.select %and3A_254, %scan3A_163#5, %select_n3A_224 : vector<16xi1>, vector<16xi32>
      %jit3A_259 = arith.constant -1.000000e+30 : f32
      %broadcast_in_dim3A_260 = vector.broadcast %jit3A_259 : f32 to vector<16xf32>
      %select_n3A_261 = arith.select %and3A_254, %broadcast_in_dim3A_260, %select_n3A_227 : vector<16xi1>, vector<16xf32>
      %shift_right_logical3A_262 = arith.constant 4 : i32
      %shift_right_logical3A_263 = arith.shrui %reduce_min3A_251, %shift_right_logical3A_262 : i32
      %reduce_max3A_264 = arith.constant true
      %reduce_max3A_265 = vector.broadcast %reduce_max3A_264 : i1 to vector<16xi1>
      %reduce_max3A_266 = tpu.scan <max>, %select_n3A_255 masked %reduce_max3A_265 : vector<16xf32>, vector<16xi1> -> vector<16xf32>
      %reduce_max3A_267 = vector.extract %reduce_max3A_266[15] : f32 from vector<16xf32>
      %eq3A_268 = vector.broadcast %reduce_max3A_267 : f32 to vector<16xf32>
      %eq3A_269 = arith.cmpf oeq, %select_n3A_255, %eq3A_268 : vector<16xf32>
      %mul3A_270 = arith.constant 16 : i32
      %mul3A_271 = vector.broadcast %mul3A_270 : i32 to vector<16xi32>
      %mul3A_272 = arith.muli %select_n3A_256, %mul3A_271 : vector<16xi32>
      %iota3A_273 = tpu.iota {dimensions = array<i32: 0>} : vector<16xi32>
      %add3A_274 = arith.addi %mul3A_272, %iota3A_273 : vector<16xi32>
      %jit3A_275 = arith.constant 2147483647 : i32
      %broadcast_in_dim3A_276 = vector.broadcast %jit3A_275 : i32 to vector<16xi32>
      %select_n3A_277 = arith.select %eq3A_269, %add3A_274, %broadcast_in_dim3A_276 : vector<16xi1>, vector<16xi32>
      %reduce_min3A_278 = arith.constant true
      %reduce_min3A_279 = vector.broadcast %reduce_min3A_278 : i1 to vector<16xi1>
      %reduce_min3A_280 = arith.constant -2147483648 : i32
      %reduce_min3A_281 = vector.broadcast %reduce_min3A_280 : i32 to vector<16xi32>
      %reduce_min3A_282 = arith.xori %select_n3A_277, %reduce_min3A_281 : vector<16xi32>
      %reduce_min3A_283 = tpu.scan <min>, %reduce_min3A_282 masked %reduce_min3A_279 : vector<16xi32>, vector<16xi1> -> vector<16xi32>
      %reduce_min3A_284 = arith.xori %reduce_min3A_283, %reduce_min3A_281 : vector<16xi32>
      %reduce_min3A_285 = vector.extract %reduce_min3A_284[15] : i32 from vector<16xi32>
      %eq3A_286 = vector.broadcast %reduce_min3A_285 : i32 to vector<16xi32>
      %eq3A_287 = arith.cmpi eq, %add3A_274, %eq3A_286 : vector<16xi32>
      %and3A_288 = arith.andi %eq3A_269, %eq3A_287 : vector<16xi1>
      %select_n3A_289 = arith.select %and3A_288, %select_n3A_257, %select_n3A_255 : vector<16xi1>, vector<16xf32>
      %select_n3A_290 = arith.select %and3A_288, %select_n3A_258, %select_n3A_256 : vector<16xi1>, vector<16xi32>
      %select_n3A_291 = arith.select %and3A_288, %select_n3A_261, %select_n3A_257 : vector<16xi1>, vector<16xf32>
      %select_n3A_292 = arith.select %and3A_288, %scan3A_163#5, %select_n3A_258 : vector<16xi1>, vector<16xi32>
      %jit3A_293 = arith.constant -1.000000e+30 : f32
      %broadcast_in_dim3A_294 = vector.broadcast %jit3A_293 : f32 to vector<16xf32>
      %select_n3A_295 = arith.select %and3A_288, %broadcast_in_dim3A_294, %select_n3A_261 : vector<16xi1>, vector<16xf32>
      %shift_right_logical3A_296 = arith.constant 4 : i32
      %shift_right_logical3A_297 = arith.shrui %reduce_min3A_285, %shift_right_logical3A_296 : i32
      %reduce_max3A_298 = arith.constant true
      %reduce_max3A_299 = vector.broadcast %reduce_max3A_298 : i1 to vector<16xi1>
      %reduce_max3A_300 = tpu.scan <max>, %select_n3A_289 masked %reduce_max3A_299 : vector<16xf32>, vector<16xi1> -> vector<16xf32>
      %reduce_max3A_301 = vector.extract %reduce_max3A_300[15] : f32 from vector<16xf32>
      %eq3A_302 = vector.broadcast %reduce_max3A_301 : f32 to vector<16xf32>
      %eq3A_303 = arith.cmpf oeq, %select_n3A_289, %eq3A_302 : vector<16xf32>
      %mul3A_304 = arith.constant 16 : i32
      %mul3A_305 = vector.broadcast %mul3A_304 : i32 to vector<16xi32>
      %mul3A_306 = arith.muli %select_n3A_290, %mul3A_305 : vector<16xi32>
      %iota3A_307 = tpu.iota {dimensions = array<i32: 0>} : vector<16xi32>
      %add3A_308 = arith.addi %mul3A_306, %iota3A_307 : vector<16xi32>
      %jit3A_309 = arith.constant 2147483647 : i32
      %broadcast_in_dim3A_310 = vector.broadcast %jit3A_309 : i32 to vector<16xi32>
      %select_n3A_311 = arith.select %eq3A_303, %add3A_308, %broadcast_in_dim3A_310 : vector<16xi1>, vector<16xi32>
      %reduce_min3A_312 = arith.constant true
      %reduce_min3A_313 = vector.broadcast %reduce_min3A_312 : i1 to vector<16xi1>
      %reduce_min3A_314 = arith.constant -2147483648 : i32
      %reduce_min3A_315 = vector.broadcast %reduce_min3A_314 : i32 to vector<16xi32>
      %reduce_min3A_316 = arith.xori %select_n3A_311, %reduce_min3A_315 : vector<16xi32>
      %reduce_min3A_317 = tpu.scan <min>, %reduce_min3A_316 masked %reduce_min3A_313 : vector<16xi32>, vector<16xi1> -> vector<16xi32>
      %reduce_min3A_318 = arith.xori %reduce_min3A_317, %reduce_min3A_315 : vector<16xi32>
      %reduce_min3A_319 = vector.extract %reduce_min3A_318[15] : i32 from vector<16xi32>
      %eq3A_320 = vector.broadcast %reduce_min3A_319 : i32 to vector<16xi32>
      %eq3A_321 = arith.cmpi eq, %add3A_308, %eq3A_320 : vector<16xi32>
      %and3A_322 = arith.andi %eq3A_303, %eq3A_321 : vector<16xi1>
      %select_n3A_323 = arith.select %and3A_322, %select_n3A_291, %select_n3A_289 : vector<16xi1>, vector<16xf32>
      %select_n3A_324 = arith.select %and3A_322, %select_n3A_292, %select_n3A_290 : vector<16xi1>, vector<16xi32>
      %select_n3A_325 = arith.select %and3A_322, %select_n3A_295, %select_n3A_291 : vector<16xi1>, vector<16xf32>
      %select_n3A_326 = arith.select %and3A_322, %scan3A_163#5, %select_n3A_292 : vector<16xi1>, vector<16xi32>
      %jit3A_327 = arith.constant -1.000000e+30 : f32
      %broadcast_in_dim3A_328 = vector.broadcast %jit3A_327 : f32 to vector<16xf32>
      %select_n3A_329 = arith.select %and3A_322, %broadcast_in_dim3A_328, %select_n3A_295 : vector<16xi1>, vector<16xf32>
      %shift_right_logical3A_330 = arith.constant 4 : i32
      %shift_right_logical3A_331 = arith.shrui %reduce_min3A_319, %shift_right_logical3A_330 : i32
      %broadcast_in_dim3A_332 = arith.constant -1.000000e+30 : f32
      %broadcast_in_dim3A_333 = vector.broadcast %broadcast_in_dim3A_332 : f32 to vector<16xf32>
      %broadcast_in_dim3A_334 = arith.constant 0 : i32
      %broadcast_in_dim3A_335 = vector.broadcast %broadcast_in_dim3A_334 : i32 to vector<16xi32>
      %scan3A_336 = arith.constant 0 : i32
      %scan3A_337 = arith.constant 8 : i32
      %scan3A_338 = arith.addi %scan3A_336, %scan3A_337 : i32
      %scan3A_339 = arith.constant 1 : i32
      %scan3A_340:6 = scf.for %scan3A_513 = %scan3A_336 to %scan3A_338 step %scan3A_339 iter_args(%scan3A_514 = %broadcast_in_dim3A_333, %scan3A_515 = %broadcast_in_dim3A_333, %scan3A_516 = %broadcast_in_dim3A_333, %scan3A_517 = %broadcast_in_dim3A_335, %scan3A_518 = %broadcast_in_dim3A_335, %scan3A_519 = %broadcast_in_dim3A_335) -> (vector<16xf32>, vector<16xf32>, vector<16xf32>, vector<16xi32>, vector<16xi32>, vector<16xi32>)  : i32 {
        %mul3A_520 = arith.constant 128 : i32
        %mul3A_521 = arith.muli %shift_right_logical3A_195, %mul3A_520 : i32
        %mul3A_522 = arith.constant 16 : i32
        %mul3A_523 = arith.muli %scan3A_513, %mul3A_522 : i32
        %add3A_524 = arith.addi %mul3A_521, %mul3A_523 : i32
        %get3A = arith.index_cast %select_n3A_113 : i32 to index
        %get3A_525 = arith.index_cast %add3A_524 : i32 to index
        %get3A_526 = tpu.vector_load %arg4[%get3A, %get3A_525] {strides = array<i32>} : memref<2x32768xf32, #tpu.memory_space<vmem>>, vector<16xf32>,
        %mul3A_527 = arith.constant 8 : i32
        %mul3A_528 = arith.muli %shift_right_logical3A_195, %mul3A_527 : i32
        %add3A_529 = arith.addi %mul3A_528, %scan3A_513 : i32
        %eq3A_530 = arith.cmpf oeq, %get3A_526, %scan3A_514 : vector<16xf32>
        %eq3A_531 = vector.broadcast %add3A_529 : i32 to vector<16xi32>
        %eq3A_532 = arith.cmpi eq, %eq3A_531, %scan3A_517 : vector<16xi32>
        %and3A_533 = arith.andi %eq3A_530, %eq3A_532 : vector<16xi1>
        %eq3A_534 = arith.cmpf oeq, %get3A_526, %scan3A_515 : vector<16xf32>
        %eq3A_535 = vector.broadcast %add3A_529 : i32 to vector<16xi32>
        %eq3A_536 = arith.cmpi eq, %eq3A_535, %scan3A_518 : vector<16xi32>
        %and3A_537 = arith.andi %eq3A_534, %eq3A_536 : vector<16xi1>
        %or3A = arith.ori %and3A_533, %and3A_537 : vector<16xi1>
        %eq3A_538 = arith.cmpf oeq, %get3A_526, %scan3A_516 : vector<16xf32>
        %eq3A_539 = vector.broadcast %add3A_529 : i32 to vector<16xi32>
        %eq3A_540 = arith.cmpi eq, %eq3A_539, %scan3A_519 : vector<16xi32>
        %and3A_541 = arith.andi %eq3A_538, %eq3A_540 : vector<16xi1>
        %or3A_542 = arith.ori %or3A, %and3A_541 : vector<16xi1>
        %not3A = arith.constant dense<true> : vector<16xi1>
        %not3A_543 = arith.xori %or3A_542, %not3A : vector<16xi1>
        %gt3A_544 = arith.cmpf ogt, %get3A_526, %scan3A_514 : vector<16xf32>
        %eq3A_545 = arith.cmpf oeq, %get3A_526, %scan3A_514 : vector<16xf32>
        %lt3A_546 = vector.broadcast %add3A_529 : i32 to vector<16xi32>
        %lt3A_547 = arith.cmpi slt, %lt3A_546, %scan3A_517 : vector<16xi32>
        %and3A_548 = arith.andi %eq3A_545, %lt3A_547 : vector<16xi1>
        %or3A_549 = arith.ori %gt3A_544, %and3A_548 : vector<16xi1>
        %and3A_550 = arith.andi %or3A_549, %not3A_543 : vector<16xi1>
        %gt3A_551 = arith.cmpf ogt, %get3A_526, %scan3A_515 : vector<16xf32>
        %eq3A_552 = arith.cmpf oeq, %get3A_526, %scan3A_515 : vector<16xf32>
        %lt3A_553 = vector.broadcast %add3A_529 : i32 to vector<16xi32>
        %lt3A_554 = arith.cmpi slt, %lt3A_553, %scan3A_518 : vector<16xi32>
        %and3A_555 = arith.andi %eq3A_552, %lt3A_554 : vector<16xi1>
        %or3A_556 = arith.ori %gt3A_551, %and3A_555 : vector<16xi1>
        %and3A_557 = arith.andi %or3A_556, %not3A_543 : vector<16xi1>
        %gt3A_558 = arith.cmpf ogt, %get3A_526, %scan3A_516 : vector<16xf32>
        %eq3A_559 = arith.cmpf oeq, %get3A_526, %scan3A_516 : vector<16xf32>
        %lt3A_560 = vector.broadcast %add3A_529 : i32 to vector<16xi32>
        %lt3A_561 = arith.cmpi slt, %lt3A_560, %scan3A_519 : vector<16xi32>
        %and3A_562 = arith.andi %eq3A_559, %lt3A_561 : vector<16xi1>
        %or3A_563 = arith.ori %gt3A_558, %and3A_562 : vector<16xi1>
        %and3A_564 = arith.andi %or3A_563, %not3A_543 : vector<16xi1>
        %select_n3A_565 = arith.select %and3A_564, %get3A_526, %scan3A_516 : vector<16xi1>, vector<16xf32>
        %select_n3A_566 = arith.select %and3A_557, %scan3A_515, %select_n3A_565 : vector<16xi1>, vector<16xf32>
        %broadcast_in_dim3A_567 = vector.broadcast %add3A_529 : i32 to vector<16xi32>
        %select_n3A_568 = arith.select %and3A_564, %broadcast_in_dim3A_567, %scan3A_519 : vector<16xi1>, vector<16xi32>
        %select_n3A_569 = arith.select %and3A_557, %scan3A_518, %select_n3A_568 : vector<16xi1>, vector<16xi32>
        %select_n3A_570 = arith.select %and3A_557, %get3A_526, %scan3A_515 : vector<16xi1>, vector<16xf32>
        %select_n3A_571 = arith.select %and3A_550, %scan3A_514, %select_n3A_570 : vector<16xi1>, vector<16xf32>
        %broadcast_in_dim3A_572 = vector.broadcast %add3A_529 : i32 to vector<16xi32>
        %select_n3A_573 = arith.select %and3A_557, %broadcast_in_dim3A_572, %scan3A_518 : vector<16xi1>, vector<16xi32>
        %select_n3A_574 = arith.select %and3A_550, %scan3A_517, %select_n3A_573 : vector<16xi1>, vector<16xi32>
        %select_n3A_575 = arith.select %and3A_550, %get3A_526, %scan3A_514 : vector<16xi1>, vector<16xf32>
        %broadcast_in_dim3A_576 = vector.broadcast %add3A_529 : i32 to vector<16xi32>
        %select_n3A_577 = arith.select %and3A_550, %broadcast_in_dim3A_576, %scan3A_517 : vector<16xi1>, vector<16xi32>
        scf.yield %select_n3A_575, %select_n3A_571, %select_n3A_566, %select_n3A_577, %select_n3A_574, %select_n3A_569 : vector<16xf32>, vector<16xf32>, vector<16xf32>, vector<16xi32>, vector<16xi32>, vector<16xi32>
      }
      %scan3A_341 = arith.constant 8 : i32
      %scan3A_342 = arith.constant 0 : i32
      %scan3A_343 = arith.constant 8 : i32
      %scan3A_344 = arith.addi %scan3A_342, %scan3A_343 : i32
      %scan3A_345 = arith.constant 1 : i32
      %scan3A_346:6 = scf.for %scan3A_513 = %scan3A_342 to %scan3A_344 step %scan3A_345 iter_args(%scan3A_514 = %scan3A_340#0, %scan3A_515 = %scan3A_340#1, %scan3A_516 = %scan3A_340#2, %scan3A_517 = %scan3A_340#3, %scan3A_518 = %scan3A_340#4, %scan3A_519 = %scan3A_340#5) -> (vector<16xf32>, vector<16xf32>, vector<16xf32>, vector<16xi32>, vector<16xi32>, vector<16xi32>)  : i32 {
        %mul3A_520 = arith.constant 128 : i32
        %mul3A_521 = arith.muli %shift_right_logical3A_229, %mul3A_520 : i32
        %mul3A_522 = arith.constant 16 : i32
        %mul3A_523 = arith.muli %scan3A_513, %mul3A_522 : i32
        %add3A_524 = arith.addi %mul3A_521, %mul3A_523 : i32
        %get3A = arith.index_cast %select_n3A_113 : i32 to index
        %get3A_525 = arith.index_cast %add3A_524 : i32 to index
        %get3A_526 = tpu.vector_load %arg4[%get3A, %get3A_525] {strides = array<i32>} : memref<2x32768xf32, #tpu.memory_space<vmem>>, vector<16xf32>,
        %mul3A_527 = arith.constant 8 : i32
        %mul3A_528 = arith.muli %shift_right_logical3A_229, %mul3A_527 : i32
        %add3A_529 = arith.addi %mul3A_528, %scan3A_513 : i32
        %eq3A_530 = arith.cmpf oeq, %get3A_526, %scan3A_514 : vector<16xf32>
        %eq3A_531 = vector.broadcast %add3A_529 : i32 to vector<16xi32>
        %eq3A_532 = arith.cmpi eq, %eq3A_531, %scan3A_517 : vector<16xi32>
        %and3A_533 = arith.andi %eq3A_530, %eq3A_532 : vector<16xi1>
        %eq3A_534 = arith.cmpf oeq, %get3A_526, %scan3A_515 : vector<16xf32>
        %eq3A_535 = vector.broadcast %add3A_529 : i32 to vector<16xi32>
        %eq3A_536 = arith.cmpi eq, %eq3A_535, %scan3A_518 : vector<16xi32>
        %and3A_537 = arith.andi %eq3A_534, %eq3A_536 : vector<16xi1>
        %or3A = arith.ori %and3A_533, %and3A_537 : vector<16xi1>
        %eq3A_538 = arith.cmpf oeq, %get3A_526, %scan3A_516 : vector<16xf32>
        %eq3A_539 = vector.broadcast %add3A_529 : i32 to vector<16xi32>
        %eq3A_540 = arith.cmpi eq, %eq3A_539, %scan3A_519 : vector<16xi32>
        %and3A_541 = arith.andi %eq3A_538, %eq3A_540 : vector<16xi1>
        %or3A_542 = arith.ori %or3A, %and3A_541 : vector<16xi1>
        %not3A = arith.constant dense<true> : vector<16xi1>
        %not3A_543 = arith.xori %or3A_542, %not3A : vector<16xi1>
        %gt3A_544 = arith.cmpf ogt, %get3A_526, %scan3A_514 : vector<16xf32>
        %eq3A_545 = arith.cmpf oeq, %get3A_526, %scan3A_514 : vector<16xf32>
        %lt3A_546 = vector.broadcast %add3A_529 : i32 to vector<16xi32>
        %lt3A_547 = arith.cmpi slt, %lt3A_546, %scan3A_517 : vector<16xi32>
        %and3A_548 = arith.andi %eq3A_545, %lt3A_547 : vector<16xi1>
        %or3A_549 = arith.ori %gt3A_544, %and3A_548 : vector<16xi1>
        %and3A_550 = arith.andi %or3A_549, %not3A_543 : vector<16xi1>
        %gt3A_551 = arith.cmpf ogt, %get3A_526, %scan3A_515 : vector<16xf32>
        %eq3A_552 = arith.cmpf oeq, %get3A_526, %scan3A_515 : vector<16xf32>
        %lt3A_553 = vector.broadcast %add3A_529 : i32 to vector<16xi32>
        %lt3A_554 = arith.cmpi slt, %lt3A_553, %scan3A_518 : vector<16xi32>
        %and3A_555 = arith.andi %eq3A_552, %lt3A_554 : vector<16xi1>
        %or3A_556 = arith.ori %gt3A_551, %and3A_555 : vector<16xi1>
        %and3A_557 = arith.andi %or3A_556, %not3A_543 : vector<16xi1>
        %gt3A_558 = arith.cmpf ogt, %get3A_526, %scan3A_516 : vector<16xf32>
        %eq3A_559 = arith.cmpf oeq, %get3A_526, %scan3A_516 : vector<16xf32>
        %lt3A_560 = vector.broadcast %add3A_529 : i32 to vector<16xi32>
        %lt3A_561 = arith.cmpi slt, %lt3A_560, %scan3A_519 : vector<16xi32>
        %and3A_562 = arith.andi %eq3A_559, %lt3A_561 : vector<16xi1>
        %or3A_563 = arith.ori %gt3A_558, %and3A_562 : vector<16xi1>
        %and3A_564 = arith.andi %or3A_563, %not3A_543 : vector<16xi1>
        %select_n3A_565 = arith.select %and3A_564, %get3A_526, %scan3A_516 : vector<16xi1>, vector<16xf32>
        %select_n3A_566 = arith.select %and3A_557, %scan3A_515, %select_n3A_565 : vector<16xi1>, vector<16xf32>
        %broadcast_in_dim3A_567 = vector.broadcast %add3A_529 : i32 to vector<16xi32>
        %select_n3A_568 = arith.select %and3A_564, %broadcast_in_dim3A_567, %scan3A_519 : vector<16xi1>, vector<16xi32>
        %select_n3A_569 = arith.select %and3A_557, %scan3A_518, %select_n3A_568 : vector<16xi1>, vector<16xi32>
        %select_n3A_570 = arith.select %and3A_557, %get3A_526, %scan3A_515 : vector<16xi1>, vector<16xf32>
        %select_n3A_571 = arith.select %and3A_550, %scan3A_514, %select_n3A_570 : vector<16xi1>, vector<16xf32>
        %broadcast_in_dim3A_572 = vector.broadcast %add3A_529 : i32 to vector<16xi32>
        %select_n3A_573 = arith.select %and3A_557, %broadcast_in_dim3A_572, %scan3A_518 : vector<16xi1>, vector<16xi32>
        %select_n3A_574 = arith.select %and3A_550, %scan3A_517, %select_n3A_573 : vector<16xi1>, vector<16xi32>
        %select_n3A_575 = arith.select %and3A_550, %get3A_526, %scan3A_514 : vector<16xi1>, vector<16xf32>
        %broadcast_in_dim3A_576 = vector.broadcast %add3A_529 : i32 to vector<16xi32>
        %select_n3A_577 = arith.select %and3A_550, %broadcast_in_dim3A_576, %scan3A_517 : vector<16xi1>, vector<16xi32>
        scf.yield %select_n3A_575, %select_n3A_571, %select_n3A_566, %select_n3A_577, %select_n3A_574, %select_n3A_569 : vector<16xf32>, vector<16xf32>, vector<16xf32>, vector<16xi32>, vector<16xi32>, vector<16xi32>
      }
      %scan3A_347 = arith.constant 8 : i32
      %scan3A_348 = arith.constant 0 : i32
      %scan3A_349 = arith.constant 8 : i32
      %scan3A_350 = arith.addi %scan3A_348, %scan3A_349 : i32
      %scan3A_351 = arith.constant 1 : i32
      %scan3A_352:6 = scf.for %scan3A_513 = %scan3A_348 to %scan3A_350 step %scan3A_351 iter_args(%scan3A_514 = %scan3A_346#0, %scan3A_515 = %scan3A_346#1, %scan3A_516 = %scan3A_346#2, %scan3A_517 = %scan3A_346#3, %scan3A_518 = %scan3A_346#4, %scan3A_519 = %scan3A_346#5) -> (vector<16xf32>, vector<16xf32>, vector<16xf32>, vector<16xi32>, vector<16xi32>, vector<16xi32>)  : i32 {
        %mul3A_520 = arith.constant 128 : i32
        %mul3A_521 = arith.muli %shift_right_logical3A_263, %mul3A_520 : i32
        %mul3A_522 = arith.constant 16 : i32
        %mul3A_523 = arith.muli %scan3A_513, %mul3A_522 : i32
        %add3A_524 = arith.addi %mul3A_521, %mul3A_523 : i32
        %get3A = arith.index_cast %select_n3A_113 : i32 to index
        %get3A_525 = arith.index_cast %add3A_524 : i32 to index
        %get3A_526 = tpu.vector_load %arg4[%get3A, %get3A_525] {strides = array<i32>} : memref<2x32768xf32, #tpu.memory_space<vmem>>, vector<16xf32>,
        %mul3A_527 = arith.constant 8 : i32
        %mul3A_528 = arith.muli %shift_right_logical3A_263, %mul3A_527 : i32
        %add3A_529 = arith.addi %mul3A_528, %scan3A_513 : i32
        %eq3A_530 = arith.cmpf oeq, %get3A_526, %scan3A_514 : vector<16xf32>
        %eq3A_531 = vector.broadcast %add3A_529 : i32 to vector<16xi32>
        %eq3A_532 = arith.cmpi eq, %eq3A_531, %scan3A_517 : vector<16xi32>
        %and3A_533 = arith.andi %eq3A_530, %eq3A_532 : vector<16xi1>
        %eq3A_534 = arith.cmpf oeq, %get3A_526, %scan3A_515 : vector<16xf32>
        %eq3A_535 = vector.broadcast %add3A_529 : i32 to vector<16xi32>
        %eq3A_536 = arith.cmpi eq, %eq3A_535, %scan3A_518 : vector<16xi32>
        %and3A_537 = arith.andi %eq3A_534, %eq3A_536 : vector<16xi1>
        %or3A = arith.ori %and3A_533, %and3A_537 : vector<16xi1>
        %eq3A_538 = arith.cmpf oeq, %get3A_526, %scan3A_516 : vector<16xf32>
        %eq3A_539 = vector.broadcast %add3A_529 : i32 to vector<16xi32>
        %eq3A_540 = arith.cmpi eq, %eq3A_539, %scan3A_519 : vector<16xi32>
        %and3A_541 = arith.andi %eq3A_538, %eq3A_540 : vector<16xi1>
        %or3A_542 = arith.ori %or3A, %and3A_541 : vector<16xi1>
        %not3A = arith.constant dense<true> : vector<16xi1>
        %not3A_543 = arith.xori %or3A_542, %not3A : vector<16xi1>
        %gt3A_544 = arith.cmpf ogt, %get3A_526, %scan3A_514 : vector<16xf32>
        %eq3A_545 = arith.cmpf oeq, %get3A_526, %scan3A_514 : vector<16xf32>
        %lt3A_546 = vector.broadcast %add3A_529 : i32 to vector<16xi32>
        %lt3A_547 = arith.cmpi slt, %lt3A_546, %scan3A_517 : vector<16xi32>
        %and3A_548 = arith.andi %eq3A_545, %lt3A_547 : vector<16xi1>
        %or3A_549 = arith.ori %gt3A_544, %and3A_548 : vector<16xi1>
        %and3A_550 = arith.andi %or3A_549, %not3A_543 : vector<16xi1>
        %gt3A_551 = arith.cmpf ogt, %get3A_526, %scan3A_515 : vector<16xf32>
        %eq3A_552 = arith.cmpf oeq, %get3A_526, %scan3A_515 : vector<16xf32>
        %lt3A_553 = vector.broadcast %add3A_529 : i32 to vector<16xi32>
        %lt3A_554 = arith.cmpi slt, %lt3A_553, %scan3A_518 : vector<16xi32>
        %and3A_555 = arith.andi %eq3A_552, %lt3A_554 : vector<16xi1>
        %or3A_556 = arith.ori %gt3A_551, %and3A_555 : vector<16xi1>
        %and3A_557 = arith.andi %or3A_556, %not3A_543 : vector<16xi1>
        %gt3A_558 = arith.cmpf ogt, %get3A_526, %scan3A_516 : vector<16xf32>
        %eq3A_559 = arith.cmpf oeq, %get3A_526, %scan3A_516 : vector<16xf32>
        %lt3A_560 = vector.broadcast %add3A_529 : i32 to vector<16xi32>
        %lt3A_561 = arith.cmpi slt, %lt3A_560, %scan3A_519 : vector<16xi32>
        %and3A_562 = arith.andi %eq3A_559, %lt3A_561 : vector<16xi1>
        %or3A_563 = arith.ori %gt3A_558, %and3A_562 : vector<16xi1>
        %and3A_564 = arith.andi %or3A_563, %not3A_543 : vector<16xi1>
        %select_n3A_565 = arith.select %and3A_564, %get3A_526, %scan3A_516 : vector<16xi1>, vector<16xf32>
        %select_n3A_566 = arith.select %and3A_557, %scan3A_515, %select_n3A_565 : vector<16xi1>, vector<16xf32>
        %broadcast_in_dim3A_567 = vector.broadcast %add3A_529 : i32 to vector<16xi32>
        %select_n3A_568 = arith.select %and3A_564, %broadcast_in_dim3A_567, %scan3A_519 : vector<16xi1>, vector<16xi32>
        %select_n3A_569 = arith.select %and3A_557, %scan3A_518, %select_n3A_568 : vector<16xi1>, vector<16xi32>
        %select_n3A_570 = arith.select %and3A_557, %get3A_526, %scan3A_515 : vector<16xi1>, vector<16xf32>
        %select_n3A_571 = arith.select %and3A_550, %scan3A_514, %select_n3A_570 : vector<16xi1>, vector<16xf32>
        %broadcast_in_dim3A_572 = vector.broadcast %add3A_529 : i32 to vector<16xi32>
        %select_n3A_573 = arith.select %and3A_557, %broadcast_in_dim3A_572, %scan3A_518 : vector<16xi1>, vector<16xi32>
        %select_n3A_574 = arith.select %and3A_550, %scan3A_517, %select_n3A_573 : vector<16xi1>, vector<16xi32>
        %select_n3A_575 = arith.select %and3A_550, %get3A_526, %scan3A_514 : vector<16xi1>, vector<16xf32>
        %broadcast_in_dim3A_576 = vector.broadcast %add3A_529 : i32 to vector<16xi32>
        %select_n3A_577 = arith.select %and3A_550, %broadcast_in_dim3A_576, %scan3A_517 : vector<16xi1>, vector<16xi32>
        scf.yield %select_n3A_575, %select_n3A_571, %select_n3A_566, %select_n3A_577, %select_n3A_574, %select_n3A_569 : vector<16xf32>, vector<16xf32>, vector<16xf32>, vector<16xi32>, vector<16xi32>, vector<16xi32>
      }
      %scan3A_353 = arith.constant 8 : i32
      %scan3A_354 = arith.constant 0 : i32
      %scan3A_355 = arith.constant 8 : i32
      %scan3A_356 = arith.addi %scan3A_354, %scan3A_355 : i32
      %scan3A_357 = arith.constant 1 : i32
      %scan3A_358:6 = scf.for %scan3A_513 = %scan3A_354 to %scan3A_356 step %scan3A_357 iter_args(%scan3A_514 = %scan3A_352#0, %scan3A_515 = %scan3A_352#1, %scan3A_516 = %scan3A_352#2, %scan3A_517 = %scan3A_352#3, %scan3A_518 = %scan3A_352#4, %scan3A_519 = %scan3A_352#5) -> (vector<16xf32>, vector<16xf32>, vector<16xf32>, vector<16xi32>, vector<16xi32>, vector<16xi32>)  : i32 {
        %mul3A_520 = arith.constant 128 : i32
        %mul3A_521 = arith.muli %shift_right_logical3A_297, %mul3A_520 : i32
        %mul3A_522 = arith.constant 16 : i32
        %mul3A_523 = arith.muli %scan3A_513, %mul3A_522 : i32
        %add3A_524 = arith.addi %mul3A_521, %mul3A_523 : i32
        %get3A = arith.index_cast %select_n3A_113 : i32 to index
        %get3A_525 = arith.index_cast %add3A_524 : i32 to index
        %get3A_526 = tpu.vector_load %arg4[%get3A, %get3A_525] {strides = array<i32>} : memref<2x32768xf32, #tpu.memory_space<vmem>>, vector<16xf32>,
        %mul3A_527 = arith.constant 8 : i32
        %mul3A_528 = arith.muli %shift_right_logical3A_297, %mul3A_527 : i32
        %add3A_529 = arith.addi %mul3A_528, %scan3A_513 : i32
        %eq3A_530 = arith.cmpf oeq, %get3A_526, %scan3A_514 : vector<16xf32>
        %eq3A_531 = vector.broadcast %add3A_529 : i32 to vector<16xi32>
        %eq3A_532 = arith.cmpi eq, %eq3A_531, %scan3A_517 : vector<16xi32>
        %and3A_533 = arith.andi %eq3A_530, %eq3A_532 : vector<16xi1>
        %eq3A_534 = arith.cmpf oeq, %get3A_526, %scan3A_515 : vector<16xf32>
        %eq3A_535 = vector.broadcast %add3A_529 : i32 to vector<16xi32>
        %eq3A_536 = arith.cmpi eq, %eq3A_535, %scan3A_518 : vector<16xi32>
        %and3A_537 = arith.andi %eq3A_534, %eq3A_536 : vector<16xi1>
        %or3A = arith.ori %and3A_533, %and3A_537 : vector<16xi1>
        %eq3A_538 = arith.cmpf oeq, %get3A_526, %scan3A_516 : vector<16xf32>
        %eq3A_539 = vector.broadcast %add3A_529 : i32 to vector<16xi32>
        %eq3A_540 = arith.cmpi eq, %eq3A_539, %scan3A_519 : vector<16xi32>
        %and3A_541 = arith.andi %eq3A_538, %eq3A_540 : vector<16xi1>
        %or3A_542 = arith.ori %or3A, %and3A_541 : vector<16xi1>
        %not3A = arith.constant dense<true> : vector<16xi1>
        %not3A_543 = arith.xori %or3A_542, %not3A : vector<16xi1>
        %gt3A_544 = arith.cmpf ogt, %get3A_526, %scan3A_514 : vector<16xf32>
        %eq3A_545 = arith.cmpf oeq, %get3A_526, %scan3A_514 : vector<16xf32>
        %lt3A_546 = vector.broadcast %add3A_529 : i32 to vector<16xi32>
        %lt3A_547 = arith.cmpi slt, %lt3A_546, %scan3A_517 : vector<16xi32>
        %and3A_548 = arith.andi %eq3A_545, %lt3A_547 : vector<16xi1>
        %or3A_549 = arith.ori %gt3A_544, %and3A_548 : vector<16xi1>
        %and3A_550 = arith.andi %or3A_549, %not3A_543 : vector<16xi1>
        %gt3A_551 = arith.cmpf ogt, %get3A_526, %scan3A_515 : vector<16xf32>
        %eq3A_552 = arith.cmpf oeq, %get3A_526, %scan3A_515 : vector<16xf32>
        %lt3A_553 = vector.broadcast %add3A_529 : i32 to vector<16xi32>
        %lt3A_554 = arith.cmpi slt, %lt3A_553, %scan3A_518 : vector<16xi32>
        %and3A_555 = arith.andi %eq3A_552, %lt3A_554 : vector<16xi1>
        %or3A_556 = arith.ori %gt3A_551, %and3A_555 : vector<16xi1>
        %and3A_557 = arith.andi %or3A_556, %not3A_543 : vector<16xi1>
        %gt3A_558 = arith.cmpf ogt, %get3A_526, %scan3A_516 : vector<16xf32>
        %eq3A_559 = arith.cmpf oeq, %get3A_526, %scan3A_516 : vector<16xf32>
        %lt3A_560 = vector.broadcast %add3A_529 : i32 to vector<16xi32>
        %lt3A_561 = arith.cmpi slt, %lt3A_560, %scan3A_519 : vector<16xi32>
        %and3A_562 = arith.andi %eq3A_559, %lt3A_561 : vector<16xi1>
        %or3A_563 = arith.ori %gt3A_558, %and3A_562 : vector<16xi1>
        %and3A_564 = arith.andi %or3A_563, %not3A_543 : vector<16xi1>
        %select_n3A_565 = arith.select %and3A_564, %get3A_526, %scan3A_516 : vector<16xi1>, vector<16xf32>
        %select_n3A_566 = arith.select %and3A_557, %scan3A_515, %select_n3A_565 : vector<16xi1>, vector<16xf32>
        %broadcast_in_dim3A_567 = vector.broadcast %add3A_529 : i32 to vector<16xi32>
        %select_n3A_568 = arith.select %and3A_564, %broadcast_in_dim3A_567, %scan3A_519 : vector<16xi1>, vector<16xi32>
        %select_n3A_569 = arith.select %and3A_557, %scan3A_518, %select_n3A_568 : vector<16xi1>, vector<16xi32>
        %select_n3A_570 = arith.select %and3A_557, %get3A_526, %scan3A_515 : vector<16xi1>, vector<16xf32>
        %select_n3A_571 = arith.select %and3A_550, %scan3A_514, %select_n3A_570 : vector<16xi1>, vector<16xf32>
        %broadcast_in_dim3A_572 = vector.broadcast %add3A_529 : i32 to vector<16xi32>
        %select_n3A_573 = arith.select %and3A_557, %broadcast_in_dim3A_572, %scan3A_518 : vector<16xi1>, vector<16xi32>
        %select_n3A_574 = arith.select %and3A_550, %scan3A_517, %select_n3A_573 : vector<16xi1>, vector<16xi32>
        %select_n3A_575 = arith.select %and3A_550, %get3A_526, %scan3A_514 : vector<16xi1>, vector<16xf32>
        %broadcast_in_dim3A_576 = vector.broadcast %add3A_529 : i32 to vector<16xi32>
        %select_n3A_577 = arith.select %and3A_550, %broadcast_in_dim3A_576, %scan3A_517 : vector<16xi1>, vector<16xi32>
        scf.yield %select_n3A_575, %select_n3A_571, %select_n3A_566, %select_n3A_577, %select_n3A_574, %select_n3A_569 : vector<16xf32>, vector<16xf32>, vector<16xf32>, vector<16xi32>, vector<16xi32>, vector<16xi32>
      }
      %scan3A_359 = arith.constant 8 : i32
      %scan3A_360 = arith.constant 0 : i32
      %scan3A_361 = arith.constant 8 : i32
      %scan3A_362 = arith.addi %scan3A_360, %scan3A_361 : i32
      %scan3A_363 = arith.constant 1 : i32
      %scan3A_364:6 = scf.for %scan3A_513 = %scan3A_360 to %scan3A_362 step %scan3A_363 iter_args(%scan3A_514 = %scan3A_358#0, %scan3A_515 = %scan3A_358#1, %scan3A_516 = %scan3A_358#2, %scan3A_517 = %scan3A_358#3, %scan3A_518 = %scan3A_358#4, %scan3A_519 = %scan3A_358#5) -> (vector<16xf32>, vector<16xf32>, vector<16xf32>, vector<16xi32>, vector<16xi32>, vector<16xi32>)  : i32 {
        %mul3A_520 = arith.constant 128 : i32
        %mul3A_521 = arith.muli %shift_right_logical3A_331, %mul3A_520 : i32
        %mul3A_522 = arith.constant 16 : i32
        %mul3A_523 = arith.muli %scan3A_513, %mul3A_522 : i32
        %add3A_524 = arith.addi %mul3A_521, %mul3A_523 : i32
        %get3A = arith.index_cast %select_n3A_113 : i32 to index
        %get3A_525 = arith.index_cast %add3A_524 : i32 to index
        %get3A_526 = tpu.vector_load %arg4[%get3A, %get3A_525] {strides = array<i32>} : memref<2x32768xf32, #tpu.memory_space<vmem>>, vector<16xf32>,
        %mul3A_527 = arith.constant 8 : i32
        %mul3A_528 = arith.muli %shift_right_logical3A_331, %mul3A_527 : i32
        %add3A_529 = arith.addi %mul3A_528, %scan3A_513 : i32
        %eq3A_530 = arith.cmpf oeq, %get3A_526, %scan3A_514 : vector<16xf32>
        %eq3A_531 = vector.broadcast %add3A_529 : i32 to vector<16xi32>
        %eq3A_532 = arith.cmpi eq, %eq3A_531, %scan3A_517 : vector<16xi32>
        %and3A_533 = arith.andi %eq3A_530, %eq3A_532 : vector<16xi1>
        %eq3A_534 = arith.cmpf oeq, %get3A_526, %scan3A_515 : vector<16xf32>
        %eq3A_535 = vector.broadcast %add3A_529 : i32 to vector<16xi32>
        %eq3A_536 = arith.cmpi eq, %eq3A_535, %scan3A_518 : vector<16xi32>
        %and3A_537 = arith.andi %eq3A_534, %eq3A_536 : vector<16xi1>
        %or3A = arith.ori %and3A_533, %and3A_537 : vector<16xi1>
        %eq3A_538 = arith.cmpf oeq, %get3A_526, %scan3A_516 : vector<16xf32>
        %eq3A_539 = vector.broadcast %add3A_529 : i32 to vector<16xi32>
        %eq3A_540 = arith.cmpi eq, %eq3A_539, %scan3A_519 : vector<16xi32>
        %and3A_541 = arith.andi %eq3A_538, %eq3A_540 : vector<16xi1>
        %or3A_542 = arith.ori %or3A, %and3A_541 : vector<16xi1>
        %not3A = arith.constant dense<true> : vector<16xi1>
        %not3A_543 = arith.xori %or3A_542, %not3A : vector<16xi1>
        %gt3A_544 = arith.cmpf ogt, %get3A_526, %scan3A_514 : vector<16xf32>
        %eq3A_545 = arith.cmpf oeq, %get3A_526, %scan3A_514 : vector<16xf32>
        %lt3A_546 = vector.broadcast %add3A_529 : i32 to vector<16xi32>
        %lt3A_547 = arith.cmpi slt, %lt3A_546, %scan3A_517 : vector<16xi32>
        %and3A_548 = arith.andi %eq3A_545, %lt3A_547 : vector<16xi1>
        %or3A_549 = arith.ori %gt3A_544, %and3A_548 : vector<16xi1>
        %and3A_550 = arith.andi %or3A_549, %not3A_543 : vector<16xi1>
        %gt3A_551 = arith.cmpf ogt, %get3A_526, %scan3A_515 : vector<16xf32>
        %eq3A_552 = arith.cmpf oeq, %get3A_526, %scan3A_515 : vector<16xf32>
        %lt3A_553 = vector.broadcast %add3A_529 : i32 to vector<16xi32>
        %lt3A_554 = arith.cmpi slt, %lt3A_553, %scan3A_518 : vector<16xi32>
        %and3A_555 = arith.andi %eq3A_552, %lt3A_554 : vector<16xi1>
        %or3A_556 = arith.ori %gt3A_551, %and3A_555 : vector<16xi1>
        %and3A_557 = arith.andi %or3A_556, %not3A_543 : vector<16xi1>
        %gt3A_558 = arith.cmpf ogt, %get3A_526, %scan3A_516 : vector<16xf32>
        %eq3A_559 = arith.cmpf oeq, %get3A_526, %scan3A_516 : vector<16xf32>
        %lt3A_560 = vector.broadcast %add3A_529 : i32 to vector<16xi32>
        %lt3A_561 = arith.cmpi slt, %lt3A_560, %scan3A_519 : vector<16xi32>
        %and3A_562 = arith.andi %eq3A_559, %lt3A_561 : vector<16xi1>
        %or3A_563 = arith.ori %gt3A_558, %and3A_562 : vector<16xi1>
        %and3A_564 = arith.andi %or3A_563, %not3A_543 : vector<16xi1>
        %select_n3A_565 = arith.select %and3A_564, %get3A_526, %scan3A_516 : vector<16xi1>, vector<16xf32>
        %select_n3A_566 = arith.select %and3A_557, %scan3A_515, %select_n3A_565 : vector<16xi1>, vector<16xf32>
        %broadcast_in_dim3A_567 = vector.broadcast %add3A_529 : i32 to vector<16xi32>
        %select_n3A_568 = arith.select %and3A_564, %broadcast_in_dim3A_567, %scan3A_519 : vector<16xi1>, vector<16xi32>
        %select_n3A_569 = arith.select %and3A_557, %scan3A_518, %select_n3A_568 : vector<16xi1>, vector<16xi32>
        %select_n3A_570 = arith.select %and3A_557, %get3A_526, %scan3A_515 : vector<16xi1>, vector<16xf32>
        %select_n3A_571 = arith.select %and3A_550, %scan3A_514, %select_n3A_570 : vector<16xi1>, vector<16xf32>
        %broadcast_in_dim3A_572 = vector.broadcast %add3A_529 : i32 to vector<16xi32>
        %select_n3A_573 = arith.select %and3A_557, %broadcast_in_dim3A_572, %scan3A_518 : vector<16xi1>, vector<16xi32>
        %select_n3A_574 = arith.select %and3A_550, %scan3A_517, %select_n3A_573 : vector<16xi1>, vector<16xi32>
        %select_n3A_575 = arith.select %and3A_550, %get3A_526, %scan3A_514 : vector<16xi1>, vector<16xf32>
        %broadcast_in_dim3A_576 = vector.broadcast %add3A_529 : i32 to vector<16xi32>
        %select_n3A_577 = arith.select %and3A_550, %broadcast_in_dim3A_576, %scan3A_517 : vector<16xi1>, vector<16xi32>
        scf.yield %select_n3A_575, %select_n3A_571, %select_n3A_566, %select_n3A_577, %select_n3A_574, %select_n3A_569 : vector<16xf32>, vector<16xf32>, vector<16xf32>, vector<16xi32>, vector<16xi32>, vector<16xi32>
      }
      %scan3A_365 = arith.constant 8 : i32
      %reduce_max3A_366 = arith.constant true
      %reduce_max3A_367 = vector.broadcast %reduce_max3A_366 : i1 to vector<16xi1>
      %reduce_max3A_368 = tpu.scan <max>, %scan3A_364#0 masked %reduce_max3A_367 : vector<16xf32>, vector<16xi1> -> vector<16xf32>
      %reduce_max3A_369 = vector.extract %reduce_max3A_368[15] : f32 from vector<16xf32>
      %eq3A_370 = vector.broadcast %reduce_max3A_369 : f32 to vector<16xf32>
      %eq3A_371 = arith.cmpf oeq, %scan3A_364#0, %eq3A_370 : vector<16xf32>
      %mul3A_372 = arith.constant 16 : i32
      %mul3A_373 = vector.broadcast %mul3A_372 : i32 to vector<16xi32>
      %mul3A_374 = arith.muli %scan3A_364#3, %mul3A_373 : vector<16xi32>
      %iota3A_375 = tpu.iota {dimensions = array<i32: 0>} : vector<16xi32>
      %add3A_376 = arith.addi %mul3A_374, %iota3A_375 : vector<16xi32>
      %jit3A_377 = arith.constant 2147483647 : i32
      %broadcast_in_dim3A_378 = vector.broadcast %jit3A_377 : i32 to vector<16xi32>
      %select_n3A_379 = arith.select %eq3A_371, %add3A_376, %broadcast_in_dim3A_378 : vector<16xi1>, vector<16xi32>
      %reduce_min3A_380 = arith.constant true
      %reduce_min3A_381 = vector.broadcast %reduce_min3A_380 : i1 to vector<16xi1>
      %reduce_min3A_382 = arith.constant -2147483648 : i32
      %reduce_min3A_383 = vector.broadcast %reduce_min3A_382 : i32 to vector<16xi32>
      %reduce_min3A_384 = arith.xori %select_n3A_379, %reduce_min3A_383 : vector<16xi32>
      %reduce_min3A_385 = tpu.scan <min>, %reduce_min3A_384 masked %reduce_min3A_381 : vector<16xi32>, vector<16xi1> -> vector<16xi32>
      %reduce_min3A_386 = arith.xori %reduce_min3A_385, %reduce_min3A_383 : vector<16xi32>
      %reduce_min3A_387 = vector.extract %reduce_min3A_386[15] : i32 from vector<16xi32>
      %eq3A_388 = vector.broadcast %reduce_min3A_387 : i32 to vector<16xi32>
      %eq3A_389 = arith.cmpi eq, %add3A_376, %eq3A_388 : vector<16xi32>
      %and3A_390 = arith.andi %eq3A_371, %eq3A_389 : vector<16xi1>
      %select_n3A_391 = arith.select %and3A_390, %scan3A_364#1, %scan3A_364#0 : vector<16xi1>, vector<16xf32>
      %select_n3A_392 = arith.select %and3A_390, %scan3A_364#4, %scan3A_364#3 : vector<16xi1>, vector<16xi32>
      %select_n3A_393 = arith.select %and3A_390, %scan3A_364#2, %scan3A_364#1 : vector<16xi1>, vector<16xf32>
      %select_n3A_394 = arith.select %and3A_390, %scan3A_364#5, %scan3A_364#4 : vector<16xi1>, vector<16xi32>
      %jit3A_395 = arith.constant -1.000000e+30 : f32
      %broadcast_in_dim3A_396 = vector.broadcast %jit3A_395 : f32 to vector<16xf32>
      %select_n3A_397 = arith.select %and3A_390, %broadcast_in_dim3A_396, %scan3A_364#2 : vector<16xi1>, vector<16xf32>
      %reduce_max3A_398 = arith.constant true
      %reduce_max3A_399 = vector.broadcast %reduce_max3A_398 : i1 to vector<16xi1>
      %reduce_max3A_400 = tpu.scan <max>, %select_n3A_391 masked %reduce_max3A_399 : vector<16xf32>, vector<16xi1> -> vector<16xf32>
      %reduce_max3A_401 = vector.extract %reduce_max3A_400[15] : f32 from vector<16xf32>
      %eq3A_402 = vector.broadcast %reduce_max3A_401 : f32 to vector<16xf32>
      %eq3A_403 = arith.cmpf oeq, %select_n3A_391, %eq3A_402 : vector<16xf32>
      %mul3A_404 = arith.constant 16 : i32
      %mul3A_405 = vector.broadcast %mul3A_404 : i32 to vector<16xi32>
      %mul3A_406 = arith.muli %select_n3A_392, %mul3A_405 : vector<16xi32>
      %iota3A_407 = tpu.iota {dimensions = array<i32: 0>} : vector<16xi32>
      %add3A_408 = arith.addi %mul3A_406, %iota3A_407 : vector<16xi32>
      %jit3A_409 = arith.constant 2147483647 : i32
      %broadcast_in_dim3A_410 = vector.broadcast %jit3A_409 : i32 to vector<16xi32>
      %select_n3A_411 = arith.select %eq3A_403, %add3A_408, %broadcast_in_dim3A_410 : vector<16xi1>, vector<16xi32>
      %reduce_min3A_412 = arith.constant true
      %reduce_min3A_413 = vector.broadcast %reduce_min3A_412 : i1 to vector<16xi1>
      %reduce_min3A_414 = arith.constant -2147483648 : i32
      %reduce_min3A_415 = vector.broadcast %reduce_min3A_414 : i32 to vector<16xi32>
      %reduce_min3A_416 = arith.xori %select_n3A_411, %reduce_min3A_415 : vector<16xi32>
      %reduce_min3A_417 = tpu.scan <min>, %reduce_min3A_416 masked %reduce_min3A_413 : vector<16xi32>, vector<16xi1> -> vector<16xi32>
      %reduce_min3A_418 = arith.xori %reduce_min3A_417, %reduce_min3A_415 : vector<16xi32>
      %reduce_min3A_419 = vector.extract %reduce_min3A_418[15] : i32 from vector<16xi32>
      %eq3A_420 = vector.broadcast %reduce_min3A_419 : i32 to vector<16xi32>
      %eq3A_421 = arith.cmpi eq, %add3A_408, %eq3A_420 : vector<16xi32>
      %and3A_422 = arith.andi %eq3A_403, %eq3A_421 : vector<16xi1>
      %select_n3A_423 = arith.select %and3A_422, %select_n3A_393, %select_n3A_391 : vector<16xi1>, vector<16xf32>
      %select_n3A_424 = arith.select %and3A_422, %select_n3A_394, %select_n3A_392 : vector<16xi1>, vector<16xi32>
      %select_n3A_425 = arith.select %and3A_422, %select_n3A_397, %select_n3A_393 : vector<16xi1>, vector<16xf32>
      %select_n3A_426 = arith.select %and3A_422, %scan3A_364#5, %select_n3A_394 : vector<16xi1>, vector<16xi32>
      %jit3A_427 = arith.constant -1.000000e+30 : f32
      %broadcast_in_dim3A_428 = vector.broadcast %jit3A_427 : f32 to vector<16xf32>
      %select_n3A_429 = arith.select %and3A_422, %broadcast_in_dim3A_428, %select_n3A_397 : vector<16xi1>, vector<16xf32>
      %reduce_max3A_430 = arith.constant true
      %reduce_max3A_431 = vector.broadcast %reduce_max3A_430 : i1 to vector<16xi1>
      %reduce_max3A_432 = tpu.scan <max>, %select_n3A_423 masked %reduce_max3A_431 : vector<16xf32>, vector<16xi1> -> vector<16xf32>
      %reduce_max3A_433 = vector.extract %reduce_max3A_432[15] : f32 from vector<16xf32>
      %eq3A_434 = vector.broadcast %reduce_max3A_433 : f32 to vector<16xf32>
      %eq3A_435 = arith.cmpf oeq, %select_n3A_423, %eq3A_434 : vector<16xf32>
      %mul3A_436 = arith.constant 16 : i32
      %mul3A_437 = vector.broadcast %mul3A_436 : i32 to vector<16xi32>
      %mul3A_438 = arith.muli %select_n3A_424, %mul3A_437 : vector<16xi32>
      %iota3A_439 = tpu.iota {dimensions = array<i32: 0>} : vector<16xi32>
      %add3A_440 = arith.addi %mul3A_438, %iota3A_439 : vector<16xi32>
      %jit3A_441 = arith.constant 2147483647 : i32
      %broadcast_in_dim3A_442 = vector.broadcast %jit3A_441 : i32 to vector<16xi32>
      %select_n3A_443 = arith.select %eq3A_435, %add3A_440, %broadcast_in_dim3A_442 : vector<16xi1>, vector<16xi32>
      %reduce_min3A_444 = arith.constant true
      %reduce_min3A_445 = vector.broadcast %reduce_min3A_444 : i1 to vector<16xi1>
      %reduce_min3A_446 = arith.constant -2147483648 : i32
      %reduce_min3A_447 = vector.broadcast %reduce_min3A_446 : i32 to vector<16xi32>
      %reduce_min3A_448 = arith.xori %select_n3A_443, %reduce_min3A_447 : vector<16xi32>
      %reduce_min3A_449 = tpu.scan <min>, %reduce_min3A_448 masked %reduce_min3A_445 : vector<16xi32>, vector<16xi1> -> vector<16xi32>
      %reduce_min3A_450 = arith.xori %reduce_min3A_449, %reduce_min3A_447 : vector<16xi32>
      %reduce_min3A_451 = vector.extract %reduce_min3A_450[15] : i32 from vector<16xi32>
      %eq3A_452 = vector.broadcast %reduce_min3A_451 : i32 to vector<16xi32>
      %eq3A_453 = arith.cmpi eq, %add3A_440, %eq3A_452 : vector<16xi32>
      %and3A_454 = arith.andi %eq3A_435, %eq3A_453 : vector<16xi1>
      %select_n3A_455 = arith.select %and3A_454, %select_n3A_425, %select_n3A_423 : vector<16xi1>, vector<16xf32>
      %select_n3A_456 = arith.select %and3A_454, %select_n3A_426, %select_n3A_424 : vector<16xi1>, vector<16xi32>
      %select_n3A_457 = arith.select %and3A_454, %select_n3A_429, %select_n3A_425 : vector<16xi1>, vector<16xf32>
      %select_n3A_458 = arith.select %and3A_454, %scan3A_364#5, %select_n3A_426 : vector<16xi1>, vector<16xi32>
      %jit3A_459 = arith.constant -1.000000e+30 : f32
      %broadcast_in_dim3A_460 = vector.broadcast %jit3A_459 : f32 to vector<16xf32>
      %select_n3A_461 = arith.select %and3A_454, %broadcast_in_dim3A_460, %select_n3A_429 : vector<16xi1>, vector<16xf32>
      %eq3A_462 = arith.constant 0 : i32
      %eq3A_463 = vector.broadcast %eq3A_462 : i32 to vector<16xi32>
      %eq3A_464 = arith.cmpi eq, %iota3A, %eq3A_463 : vector<16xi32>
      %eq3A_465 = arith.constant 1 : i32
      %eq3A_466 = vector.broadcast %eq3A_465 : i32 to vector<16xi32>
      %eq3A_467 = arith.cmpi eq, %iota3A, %eq3A_466 : vector<16xi32>
      %eq3A_468 = arith.constant 2 : i32
      %eq3A_469 = vector.broadcast %eq3A_468 : i32 to vector<16xi32>
      %eq3A_470 = arith.cmpi eq, %iota3A, %eq3A_469 : vector<16xi32>
      %jit3A_471 = arith.constant -1.000000e+30 : f32
      %broadcast_in_dim3A_472 = vector.broadcast %reduce_max3A_433 : f32 to vector<16xf32>
      %broadcast_in_dim3A_473 = vector.broadcast %jit3A_471 : f32 to vector<16xf32>
      %select_n3A_474 = arith.select %eq3A_470, %broadcast_in_dim3A_472, %broadcast_in_dim3A_473 : vector<16xi1>, vector<16xf32>
      %broadcast_in_dim3A_475 = vector.broadcast %reduce_max3A_401 : f32 to vector<16xf32>
      %select_n3A_476 = arith.select %eq3A_467, %broadcast_in_dim3A_475, %select_n3A_474 : vector<16xi1>, vector<16xf32>
      %broadcast_in_dim3A_477 = vector.broadcast %reduce_max3A_369 : f32 to vector<16xf32>
      %select_n3A_478 = arith.select %eq3A_464, %broadcast_in_dim3A_477, %select_n3A_476 : vector<16xi1>, vector<16xf32>
      %sub3A_479 = vector.broadcast %reduce_max3A_369 : f32 to vector<16xf32>
      %sub3A_480 = arith.subf %select_n3A_478, %sub3A_479 : vector<16xf32>
      %exp3A = math.exp %sub3A_480 : vector<16xf32>
      %reduce_sum3A = arith.constant true
      %reduce_sum3A_481 = vector.broadcast %reduce_sum3A : i1 to vector<16xi1>
      %reduce_sum3A_482 = tpu.scan <sum>, %exp3A masked %reduce_sum3A_481 : vector<16xf32>, vector<16xi1> -> vector<16xf32>
      %reduce_sum3A_483 = vector.extract %reduce_sum3A_482[15] : f32 from vector<16xf32>
      %div3A = vector.broadcast %reduce_sum3A_483 : f32 to vector<16xf32>
      %div3A_484 = arith.divf %exp3A, %div3A : vector<16xf32>
      %eq3A_485 = arith.constant 0 : i32
      %eq3A_486 = vector.broadcast %eq3A_485 : i32 to vector<16xi32>
      %eq3A_487 = arith.cmpi eq, %iota3A, %eq3A_486 : vector<16xi32>
      %eq3A_488 = arith.constant 1 : i32
      %eq3A_489 = vector.broadcast %eq3A_488 : i32 to vector<16xi32>
      %eq3A_490 = arith.cmpi eq, %iota3A, %eq3A_489 : vector<16xi32>
      %eq3A_491 = arith.constant 2 : i32
      %eq3A_492 = vector.broadcast %eq3A_491 : i32 to vector<16xi32>
      %eq3A_493 = arith.cmpi eq, %iota3A, %eq3A_492 : vector<16xi32>
      %jit3A_494 = arith.constant 0 : i32
      %broadcast_in_dim3A_495 = vector.broadcast %reduce_min3A_451 : i32 to vector<16xi32>
      %broadcast_in_dim3A_496 = vector.broadcast %jit3A_494 : i32 to vector<16xi32>
      %select_n3A_497 = arith.select %eq3A_493, %broadcast_in_dim3A_495, %broadcast_in_dim3A_496 : vector<16xi1>, vector<16xi32>
      %broadcast_in_dim3A_498 = vector.broadcast %reduce_min3A_419 : i32 to vector<16xi32>
      %select_n3A_499 = arith.select %eq3A_490, %broadcast_in_dim3A_498, %select_n3A_497 : vector<16xi1>, vector<16xi32>
      %broadcast_in_dim3A_500 = vector.broadcast %reduce_min3A_387 : i32 to vector<16xi32>
      %select_n3A_501 = arith.select %eq3A_487, %broadcast_in_dim3A_500, %select_n3A_499 : vector<16xi1>, vector<16xi32>
      %gt3A_502 = arith.constant 0 : i32
      %gt3A_503 = arith.cmpi sgt, %scan3A_101, %gt3A_502 : i32
      %convert_element_type3A_504 = arith.extui %gt3A_503 : i1 to i32
      %cond3A_505 = arith.constant 0 : i32
      %cond3A_506 = arith.cmpi ne, %convert_element_type3A_504, %cond3A_505 : i32
      scf.if %cond3A_506 {
        %sub3A_513 = arith.constant 1 : i32
        %sub3A_514 = arith.subi %add3A_103, %sub3A_513 : i32
        %dma_wait3A_515 = arith.constant 0 : i32
        %dma_wait3A_516 = tpu.memref_slice %arg3[%sub3A_514, %dma_wait3A_515] : memref<128x32768xf32, #tpu.memory_space<hbm>> -> memref<1x32768xf32, #tpu.memory_space<hbm>>
        %dma_wait3A_517 = tpu.memref_squeeze %dma_wait3A_516 : memref<1x32768xf32, #tpu.memory_space<hbm>> -> memref<32768xf32, #tpu.memory_space<hbm>>
        %dma_wait3A_518 = arith.constant 0 : i32
        %dma_wait3A_519 = tpu.memref_slice %arg3[%sub3A_514, %dma_wait3A_518] : memref<128x32768xf32, #tpu.memory_space<hbm>> -> memref<1x32768xf32, #tpu.memory_space<hbm>>
        %dma_wait3A_520 = tpu.memref_squeeze %dma_wait3A_519 : memref<1x32768xf32, #tpu.memory_space<hbm>> -> memref<32768xf32, #tpu.memory_space<hbm>>
        tpu.wait_dma2 semaphore(%arg7 : memref<!tpu.dma_semaphore, #tpu.memory_space<semaphore_mem>>) src(%arg5 : memref<32768xf32, #tpu.memory_space<vmem>>) dst(%dma_wait3A_520 : memref<32768xf32, #tpu.memory_space<hbm>>)
        tpu.vector_store_idx %arg5[%scan3A_102], %broadcast_in_dim3A_1 masked %lt3A_86 : memref<32768xf32, #tpu.memory_space<vmem>>[vector<16xi32>], vector<16xf32>, vector<16xi1>
      } else {
      }
      tpu.vector_store_idx %arg5[%select_n3A_501], %div3A_484 masked %lt3A_86 : memref<32768xf32, #tpu.memory_space<vmem>>[vector<16xi32>], vector<16xf32>, vector<16xi1>
      %dma_start3A_507 = arith.constant 0 : i32
      %dma_start3A_508 = tpu.memref_slice %arg3[%add3A_103, %dma_start3A_507] : memref<128x32768xf32, #tpu.memory_space<hbm>> -> memref<1x32768xf32, #tpu.memory_space<hbm>>
      %dma_start3A_509 = tpu.memref_squeeze %dma_start3A_508 : memref<1x32768xf32, #tpu.memory_space<hbm>> -> memref<32768xf32, #tpu.memory_space<hbm>>
      %dma_start3A_510 = arith.constant 0 : i32
      %dma_start3A_511 = tpu.memref_slice %arg3[%add3A_103, %dma_start3A_510] : memref<128x32768xf32, #tpu.memory_space<hbm>> -> memref<1x32768xf32, #tpu.memory_space<hbm>>
      %dma_start3A_512 = tpu.memref_squeeze %dma_start3A_511 : memref<1x32768xf32, #tpu.memory_space<hbm>> -> memref<32768xf32, #tpu.memory_space<hbm>>
      tpu.enqueue_dma source(%arg5 : memref<32768xf32, #tpu.memory_space<vmem>>) target(%dma_start3A_512 : memref<32768xf32, #tpu.memory_space<hbm>>) target_semaphore(%arg7 : memref<!tpu.dma_semaphore, #tpu.memory_space<semaphore_mem>>)
      scf.yield %select_n3A_501 : vector<16xi32>
    }
    %scan3A_92 = arith.constant 4 : i32
    %add3A_93 = arith.constant 4 : i32
    %add3A_94 = arith.addi %mul3A_3, %add3A_93 : i32
    %sub3A = arith.constant 1 : i32
    %sub3A_95 = arith.subi %add3A_94, %sub3A : i32
    %dma_wait3A = arith.constant 0 : i32
    %dma_wait3A_96 = tpu.memref_slice %arg3[%sub3A_95, %dma_wait3A] : memref<128x32768xf32, #tpu.memory_space<hbm>> -> memref<1x32768xf32, #tpu.memory_space<hbm>>
    %dma_wait3A_97 = tpu.memref_squeeze %dma_wait3A_96 : memref<1x32768xf32, #tpu.memory_space<hbm>> -> memref<32768xf32, #tpu.memory_space<hbm>>
    %dma_wait3A_98 = arith.constant 0 : i32
    %dma_wait3A_99 = tpu.memref_slice %arg3[%sub3A_95, %dma_wait3A_98] : memref<128x32768xf32, #tpu.memory_space<hbm>> -> memref<1x32768xf32, #tpu.memory_space<hbm>>
    %dma_wait3A_100 = tpu.memref_squeeze %dma_wait3A_99 : memref<1x32768xf32, #tpu.memory_space<hbm>> -> memref<32768xf32, #tpu.memory_space<hbm>>
    tpu.wait_dma2 semaphore(%arg7 : memref<!tpu.dma_semaphore, #tpu.memory_space<semaphore_mem>>) src(%arg5 : memref<32768xf32, #tpu.memory_space<vmem>>) dst(%dma_wait3A_100 : memref<32768xf32, #tpu.memory_space<hbm>>)
    return
  }
}

</mosaic_0001>

<sc_bundles>
// kernel: kernel.3.cloned.1.call-start
scs
__scs_entry_jumppad:
0x0: {  	(pc) =	sbr.rel $0x88, $3  }
0x1: {  	(tag) =	ssettag $0x0;
	lr =	simm.s32 $0x1  }
0x2: {  	[smem:$0x3FA0] =	sst lr;
	_ =	strace $0xD0000000  }
0x3: {  	_ = 	snop  }
0x4: {  	_ = 	snop  }
0x5: {  	_ = 	snop  }
0x6: {  	_ = 	snop  }
0x7: {  	_ = 	snop  }
__scs_overlays_trampoline_lowered:
0x8: {  	[smem:$0x3FAF] =	sst s0  }
0x9: {  	[smem:$0x3FB0] =	sst s1  }
0xa: {  	[smem:$0x3FB1] =	sst s2  }
0xb: {  	[smem:$0x3FB2] =	sst s3  }
0xc: {  	[smem:$0x3FB3] =	sst s4  }
0xd: {  	[smem:$0x3FB4] =	sst s5  }
0xe: {  	[smem:$0x3FB5] =	sst s6  }
0xf: {  	[smem:$0x3FB6] =	sst s7  }
0x10: {  	[smem:$0x3FB7] =	sst s8  }
0x11: {  	[smem:$0x3FB8] =	sst s9;
	s0 =	simm.s32 @!p0 $0x0  }
0x12: {  	s1 =	sld [smem:$0x3F9E];
	s0 =	simm.s32 @p0 $0x1  }
0x13: {  	[smem:$0x3FB9] =	sst s0;
	s0 =	simm.s32 @!p1 $0x0  }
0x14: {  	s2 =	sld [smem:$0x3F9D];
	s0 =	simm.s32 @p1 $0x1  }
0x15: {  	[smem:$0x3FBA] =	sst s0;
	s0 =	simm.s32 @!p2 $0x0  }
0x16: {  	s3 =	sld [smem:$0x3FDB];
	s0 =	simm.s32 @p2 $0x1  }
0x17: {  	s4 =	simm.s32 $0x1BF5;
	[smem:$0x3FBC] =	sst s0  }
0x18: {  	s0 =	sld [smem:$0x3F9F];
	_ =	swait.ge [sflag:s4], $0x0  }
0x19: {  	s7 =	sld [smem:$0x3FA0]  }
0x1a: {  	s8 =	sadd.s32 $0xFFFFE003, lr  }
0x1b: {  	s9 =	sadd.s32 $0xFFFFFEF7, lr;
	s5 =	simm.s32 $0xFFFFFFFF;
	p2 =	slt.u32 s8, $0xFFFFF086  }
0x1c: {  	p1 =	slt.u32 s9, $0xF7A;
	s5 =	simm.s32 @!p2 $0x0  }
0x1d: {  	s5 =	simm.s32 @p1 $0x1;
	p0 =	seq.s32 s7, s2  }
0x1e: {  	s7 =	smul.u32 @!p0 $0xF7A, s2;
	p2 =	seq.s32 @!p0 s5, $0x0  }
0x1f: {  	s9 =	smul.u32 $0xF7A, s1;
	s8 =	simm.s32 @!p0 $0x1BF5;
	p2 =	por !p2, p0  }
0x20: {  	[sflag:s8] =	ssyncset.s32 @!p0 $0xFFFFF086;
	s6 =	sadd.s32 @!p0 s3, s7;
	s7 =	simm.s32 @!p0 $0x108  }
0x21: {  	s3 =	sadd.s32 s3, s9;
	s6 =	sadd.s32 @!p0 $0x88, s6;
	s7 =	simm.s32 @p2 $0x1082  }
0x22: {  	[simem:s7], [sflag:s8] =	dma.local @!p0 [hbm:s6], $0xF7A  }
0x23: {  	s9 =	sor.u32 $0xD0000000, s2;
	s6 =	simm.s32 $0x108;
	_ =	swait.ge @!p0 [sflag:s8], $0x0  }
0x24: {  	s3 =	sadd.s32 $0x88, s3;
	s6 =	simm.s32 @!p1 $0x1082;
	[sflag:s4] =	ssyncset.s32 $0xFFFFF086  }
0x25: {  	[simem:s6], [sflag:s4] =	dma.local [hbm:s3], $0xF7A  }
0x26: {  	[smem:$0x3FA0] =	sst s1;
	(tag) =	ssettag s2;
	_ =	strace s9  }
0x27: {  	s1 =	sld [smem:$0x3FB0]  }
0x28: {  	s2 =	sld [smem:$0x3FB1]  }
0x29: {  	s4 =	sld [smem:$0x3FB3]  }
0x2a: {  	p0 =	seq.s32 s5, $0x0;
	s5 =	sld [smem:$0x3FB4]  }
0x2b: {  	s6 =	sld [smem:$0x3FB5]  }
0x2c: {  	s7 =	sld [smem:$0x3FB6]  }
0x2d: {  	s3 =	simm.s32 $0x108;
	s8 =	sld [smem:$0x3FB7]  }
0x2e: {  	s3 =	simm.s32 @!p0 $0x1082;
	s9 =	sld [smem:$0x3FB8]  }
0x2f: {  	lr =	sadd.s32 s0, s3;
	s0 =	sld [smem:$0x3FAF]  }
0x30: {  	s3 =	sld [smem:$0x3FB2]  }
0x31: {  	[smem:$0x3FBB] =	sst s10  }
0x32: {  	s10 =	sld [smem:$0x3FB9];
	_ =	sdelay $0x3  }
0x33: {  	p0 =	seq.s32 s10, $0x1;
	s10 =	sld [smem:$0x3FBB];
	_ =	sdelay $0x3  }
0x34: {  	[smem:$0x3FBB] =	sst s10  }
0x35: {  	s10 =	sld [smem:$0x3FBA];
	_ =	sdelay $0x3  }
0x36: {  	p1 =	seq.s32 s10, $0x1;
	s10 =	sld [smem:$0x3FBB];
	_ =	sdelay $0x3  }
0x37: {  	[smem:$0x3FBB] =	sst s10  }
0x38: {  	s10 =	sld [smem:$0x3FBC]  }
0x39: {  	_ = 	snop;
	(pc) =	sbr.ind lr, $3  }
0x3a: {  	_ = 	snop  }
0x3b: {  	_ = 	snop  }
0x3c: {  	p2 =	seq.s32 s10, $0x1;
	s10 =	sld [smem:$0x3FBB]  }
0x3d: {  	_ =	shalt  }
0x3e: {  	_ =	shalt  }
0x3f: {  	_ =	shalt  }
0x40: {  	_ =	shalt  }
0x41: {  	_ =	shalt  }
0x42: {  	_ =	shalt  }
0x43: {  	_ =	shalt  }
0x44: {  	_ =	shalt  }
0x45: {  	_ =	shalt  }
0x46: {  	_ =	shalt  }
0x47: {  	_ =	shalt  }
0x48: {  	_ =	shalt  }
0x49: {  	_ =	shalt  }
0x4a: {  	_ =	shalt  }
0x4b: {  	_ =	shalt  }
0x4c: {  	_ =	shalt  }
0x4d: {  	_ =	shalt  }
0x4e: {  	_ =	shalt  }
0x4f: {  	_ =	shalt  }
0x50: {  	_ =	shalt  }
0x51: {  	_ =	shalt  }
0x52: {  	_ =	shalt  }
0x53: {  	_ =	shalt  }
0x54: {  	_ =	shalt  }
0x55: {  	_ =	shalt  }
0x56: {  	_ =	shalt  }
0x57: {  	_ =	shalt  }
0x58: {  	_ =	shalt  }
0x59: {  	_ =	shalt  }
0x5a: {  	_ =	shalt  }
0x5b: {  	_ =	shalt  }
0x5c: {  	_ =	shalt  }
0x5d: {  	_ =	shalt  }
0x5e: {  	_ =	shalt  }
0x5f: {  	_ =	shalt  }
0x60: {  	_ =	shalt  }
0x61: {  	_ =	shalt  }
0x62: {  	_ =	shalt  }
0x63: {  	_ =	shalt  }
0x64: {  	_ =	shalt  }
0x65: {  	_ =	shalt  }
0x66: {  	_ =	shalt  }
0x67: {  	_ =	shalt  }
0x68: {  	_ =	shalt  }
0x69: {  	_ =	shalt  }
0x6a: {  	_ =	shalt  }
0x6b: {  	_ =	shalt  }
0x6c: {  	_ =	shalt  }
0x6d: {  	_ =	shalt  }
0x6e: {  	_ =	shalt  }
0x6f: {  	_ =	shalt  }
0x70: {  	_ =	shalt  }
0x71: {  	_ =	shalt  }
0x72: {  	_ =	shalt  }
0x73: {  	_ =	shalt  }
0x74: {  	_ =	shalt  }
0x75: {  	_ =	shalt  }
0x76: {  	_ =	shalt  }
0x77: {  	_ =	shalt  }
0x78: {  	_ =	shalt  }
0x79: {  	_ =	shalt  }
0x7a: {  	_ =	shalt  }
0x7b: {  	_ =	shalt  }
0x7c: {  	_ =	shalt  }
0x7d: {  	_ =	shalt  }
0x7e: {  	_ =	shalt  }
0x7f: {  	_ =	shalt  }
0x80: {  	_ =	shalt  }
0x81: {  	_ =	shalt  }
0x82: {  	_ =	shalt  }
0x83: {  	_ =	shalt  }
0x84: {  	_ =	shalt  }
0x85: {  	_ =	shalt  }
0x86: {  	_ =	shalt  }
0x87: {  	_ =	shalt  }
.Lfunc_end0:
.L_simem_size_0:
called_computation_lowered:
.L_overlay_start_0:
0x88: {  	s2 =	sld [smem:$0x3FD9]  }
0x89: {  	s3 =	sld [smem:$0x3FFE];
	_ =	sdelay $0x1  }
0x8a: {  	s1 =	srdreg.scid  }
0x8b: {  	s0 =	sand.u32 $0x1, s1  }
0x8c: {  	s18 =	sshll.u32 s0, $0xA;
	s2 =	sadd.s32 s3, s2  }
0x8d: {  	s2 =	sadd.s32 s2, s18  }
0x8e: {  	[smem:$0x3FC7] =	sst s2  }
0x8f: {  	_ = 	snop  }
0x90: {  	s2 =	sld [smem:$0x3FC9]  }
0x91: {  	s19 =	sld [smem:$0x3FD0];
	(tm) =	ssettm $0x1  }
0x92: {  	s4 =	sld [smem:$0x3FFB];
	_ =	sdelay $0x3  }
0x93: {  	_ =	strace s4  }
0x94: {  	s4 =	sld [smem:$0x3FFC];
	_ =	sdelay $0x3  }
0x95: {  	_ =	strace s4  }
0x96: {  	s4 =	sld [smem:$0x3FFD];
	_ =	sdelay $0x3  }
0x97: {  	_ =	strace s4  }
0x98: {  	_ =	strace $0x8FFFFFFF  }
0x99: {  	s20 =	sld [smem:$0x3FDB];
	_ =	sdelay $0x1  }
0x9a: {  	s5 =	simm.s32 $_scs_section_size  }
0x9b: {  	s6 =	simm.s32 $_size__tile_overlayer_lowered;
	s7 =	simm.s32 $_tile_overlayer_lowered  }
0x9c: {  	s23 =	simm.s32 $0x1BFF;
	s22 =	sshll.u32 s7, $0x1;
	s4 =	sadd.s32 s5, s20  }
0x9d: {  	s8 =	simm.s32 $0x0;
	s21 =	sshll.u32 s6, $0x1;
	s6 =	sadd.s32 s22, s4  }
0x9e: {  	[timem:s8], [sflag:s23] =	dma.local [hbm:s6], s21  }
0x9f: {  	_ =	swait.ge [sflag:s23], s21  }
0xa0: {  	s5 =	ssub.s32 $0x0, s21;
	[sflag:s23] =	ssyncset.done $0x0  }
0xa1: {  	[sflag:s23] =	ssyncadd.s32 s5;
	_ =	sdelay $0x1  }
0xa2: {  	s24 =	simm.s32 $0x1B8B  }
0xa3: {  	_ =	swait.ge [sflag:s24], $0x1  }
0xa4: {  	[sflag:s24] =	ssyncset.done $0x0  }
0xa5: {  	s25 =	simm.s32 $0x1B8E;
	[sflag:s24] =	ssyncadd.s32 $0xFFFFFFFF  }
0xa6: {  	s26 =	simm.s32 $execute0_lowered;
	[smem:$0x3FD2] =	sst s25  }
0xa7: {  	s5 =	sshll.u32 s26, $0x1;
	_ =	strace $0x80000046;
	[dreg:$0x1] =	wrdreg $0xFFFFFFFF  }
0xa8: {  	s28 =	simm.s32 $_size_execute0_lowered;
	s4 =	sadd.s32 s4, s5;
	[dreg:$0x0] =	wrdreg $0x0  }
0xa9: {  	s5 =	sshll.u32 s28, $0x1;
	[dreg:$0x2] =	wrdreg s4  }
0xaa: {  	[dreg:$0x3] =	wrdreg s5  }
0xab: {  	[dreg:$0x4] =	wrdreg $0xC0  }
0xac: {  	_ =	task [dreg:s8], $0x5FFFF  }
0xad: {  	[dreg:$0x1] =	wrdreg $0xFFFFFFFF  }
0xae: {  	[dreg:$0x0] =	wrdreg $0x60  }
0xaf: {  	[dreg:$0x2] =	wrdreg s2  }
0xb0: {  	[dreg:$0x3] =	wrdreg s19  }
0xb1: {  	[dreg:$0x4] =	wrdreg $0x9  }
0xb2: {  	_ =	task.clear_ibuf [dreg:s8], $0x5FFFF;
	_ =	strace $0x90000046  }
0xb3: {  	s29 =	simm.s32 $0x9;
	_ =	strace $0x80000048  }
0xb4: {  	_ =	swait.ge [sflag:s29], $0x1  }
0xb5: {  	[sflag:s29] =	ssyncadd.s32 $0xFFFFFFFF  }
0xb6: {  	_ =	strace $0x90000048  }
0xb7: {  	_ =	sfence  }
0xb8: {  	s30 =	sld [smem:$0x0];
	_ =	sdelay $0x2  }
0xb9: {  	s31 =	sshll.u32 s1, $0xD;
	s1 =	sshrl.u32 s1, $0x2  }
0xba: {  	s3 =	sand.u32 $0x4000, s31;
	s1 =	sadd.s32 s1, s30  }
0xbb: {  	s0 =	sor.u32 s3, s0;
	s1 =	sshll.u32 s1, $0x11  }
0xbc: {  	s0 =	sor.u32 s1, s0  }
0xbd: {  	s0 =	sadd.s32 $0x8F2B, s0  }
0xbe: {  	[sflag:s0] =	ssyncadd.remote.s32 $0x1  }
0xbf: {  	_ =	sfence.sel $0xFFFF  }
0xc0: {  	[dreg:$0x0] =	wrdreg $0xFFFFFFFF;
	(pc) =	sbr.abs _section_cstart, $3  }
0xc1: {  	[dreg:$0x1] =	wrdreg $0xFFFFFFFF  }
0xc2: {  	_ =	task.clear_ibuf [dreg:s8], $0x2FFFF;
	_ =	strace $0x9FFFFFFF  }
0xc3: {  	(tm) =	ssettm $0x7FFFFFFF  }
tec
execute0_lowered:
.L_overlay_start_1:
0x0: {  	(tag) =	ssettag $0x1  }
0x1: {  	s1 =	srdreg.scid  }
0x2: {  	s2 =	rddreg [dreg:$0x0];
	s0 =	stileid.u32  }
0x3: {  	s10 =	rddreg [dreg:$0x1];
	s3 =	simm.s32 $0x0;
	s13 =	simm.s32 $0x80  }
0x4: {  	s14 =	simm.s32 $0x400;
	s15 =	simm.s32 $0x5;
	s16 =	simm.s32 $0x0  }
0x5: {  	s5 =	sand.u32 $0x1, s1;
	s4 =	sshll.u32 s0, $0x3;
	s1 =	rddreg [dreg:$0x2]  }
0x6: {  	[smem:$0x7FF] =	sst s3;
	s31 =	sshll.u32 s0, $0xF;
	s6 =	sshll.u32 s5, $0x2  }
0x7: {  	s7 =	ssub.s32 $0x2, s5;
	s8 =	sshll.u32 s5, $0x9;
	s4 =	sor.u32 s6, s4  }
0x8: {  	_ =	strace $0x80000047;
	s10 =	sadd.s32 s10, s31;
	s6 =	sshll.u32 s4, $0xF  }
0x9: {  	s26 =	sshrl.u32 s7, $0x1;
	s9 =	sand.u32 $0x3C0000, s6;
	s29 =	sor.u32 s8, s6  }
0xa: {  	s12 =	ssub.s32 s7, s26;
	s11 =	sor.u32 s8, s9;
	s7 =	sshrl.u32 s29, $0x3  }
0xb: {  	s8 =	sor.u32 $0x80, s8;
	s28 =	sshrl.u32 s11, $0x3;
	s7 =	sor.u32 $0x4000, s7  }
0xc: {  	s9 =	sor.u32 s8, s9;
	s8 =	sor.u32 s8, s6;
	s11 =	smax.u32 s12, $0x1  }
0xd: {  	s12 =	simm.s32 $0x10000;
	s5 =	sadd.s32 s2, s28;
	s8 =	sshrl.u32 s8, $0x3  }
0xe: {  	v0 =	vimm.f32 $0.0e+00;
	v1 =	vlaneseq.u32;
	vm0 =	vcmask $0xB08;
	s6 =	sadd.s32 s2, s7;
	s30 =	sshrl.u32 s9, $0x3;
	s8 =	sor.u32 $0x4000, s8  }
0xf: {  	vm1 =	vcmask $0x3F08;
	vm2 =	vcmask $0x3F04;
	vm3 =	vcmask $0x704;
	s9 =	sadd.s32 $0x4000, s2;
	s7 =	sadd.s32 s2, s30;
	s8 =	sadd.s32 s2, s8  }
.LBB2_1:
0x10: {  	s17 =	simm.s32 $0x80  }
0x11: {  	s20 =	sadd.s32 $0x0, s5;
	s18 =	simm.s32 $0x100;
	s19 =	simm.s32 $0x0  }
.LBB2_2:
0x12: {  	[tilespmem:s19], [sflag:$0x1] =	stream.linear.gather [hbm4b:s20+s3], $0x80, $0x38;
	[tilespmem:$0x18000] =	vst v63  }
0x13: {  	s20 =	smov.u32 s17;
	s19 =	smov.u32 s18;
	p0 =	sne.s32 s17, $0x3F80  }
.Ltmp0:
0x14: {  	s17 =	sadd.s32 $0x80, s17;
	(pc) =	sbr.rel @p0 .LBB2_2-.Ltmp0, $2  }
0x15: {  	_ =	sdelay $0x2  }
0x16: {  	s18 =	sadd.s32 $0x100, s18;
	s20 =	sadd.s32 s20, s5  }
0x17: {  	[tilespmem:s19], [sflag:$0x1] =	stream.linear.gather [hbm4b:s20+s3], $0x80, $0x38;
	[tilespmem:$0x18000] =	vst v63  }
0x18: {  	s17 =	simm.s32 $0x8000  }
0x19: {  	s18 =	simm.s32 $0x80;
	s20 =	sadd.s32 $0x0, s6;
	s19 =	simm.s32 $0x8100  }
.LBB2_4:
0x1a: {  	[tilespmem:s17], [sflag:$0x2] =	stream.linear.gather [hbm4b:s20+s3], $0x80, $0x38;
	[tilespmem:$0x18000] =	vst v63  }
0x1b: {  	s20 =	smov.u32 s18;
	s17 =	smov.u32 s19;
	p0 =	sne.s32 s18, $0x3F80  }
.Ltmp1:
0x1c: {  	s18 =	sadd.s32 $0x80, s18;
	(pc) =	sbr.rel @p0 .LBB2_4-.Ltmp1, $2  }
0x1d: {  	_ =	sdelay $0x2  }
0x1e: {  	s19 =	sadd.s32 $0x100, s19;
	s20 =	sadd.s32 s20, s6  }
0x1f: {  	[tilespmem:s17], [sflag:$0x2] =	stream.linear.gather [hbm4b:s20+s3], $0x80, $0x38;
	[tilespmem:$0x18000] =	vst v63  }
0x20: {  	s17 =	simm.s32 $0x80  }
0x21: {  	s18 =	simm.s32 $0x80;
	s20 =	sadd.s32 $0x0, s7;
	s19 =	simm.s32 $0x180  }
.LBB2_6:
0x22: {  	[tilespmem:s17], [sflag:$0x3] =	stream.linear.gather [hbm4b:s20+s3], $0x80, $0x38;
	[tilespmem:$0x18000] =	vst v63  }
0x23: {  	s20 =	smov.u32 s18;
	s17 =	smov.u32 s19;
	p0 =	sne.s32 s18, $0x3F80  }
.Ltmp2:
0x24: {  	s18 =	sadd.s32 $0x80, s18;
	(pc) =	sbr.rel @p0 .LBB2_6-.Ltmp2, $2  }
0x25: {  	_ =	sdelay $0x2  }
0x26: {  	s19 =	sadd.s32 $0x100, s19;
	s20 =	sadd.s32 s20, s7  }
0x27: {  	[tilespmem:s17], [sflag:$0x3] =	stream.linear.gather [hbm4b:s20+s3], $0x80, $0x38;
	[tilespmem:$0x18000] =	vst v63  }
0x28: {  	s17 =	simm.s32 $0x0;
	s18 =	simm.s32 $0x8080  }
.LBB2_8:
0x29: {  	p0 =	sne.s32 s17, $0x3F80  }
.Ltmp3:
0x2a: {  	_ = 	snop;
	(pc) =	sbr.rel @p0 .LBB2_8-.Ltmp3, $4  }
0x2b: {  	_ = 	snop  }
0x2c: {  	s19 =	sadd.s32 s17, s8  }
0x2d: {  	[tilespmem:s18], [sflag:$0x4] =	stream.linear.gather [hbm4b:s19+s3], $0x80, $0x38;
	[tilespmem:$0x18000] =	vst v63  }
0x2e: {  	s17 =	sadd.s32 $0x80, s17;
	s18 =	sadd.s32 $0x100, s18  }
0x2f: {  	s17 =	simm.s32 $0x10040  }
0x30: {  	[tilespmem:s17+$0xFFFFFFC0] =	vst v0  }
0x31: {  	[tilespmem:s17+$0x30] =	vst v0  }
0x32: {  	[tilespmem:s17+$0x20] =	vst v0  }
0x33: {  	[tilespmem:s17+$0x10] =	vst v0  }
0x34: {  	[tilespmem:s17+$0x0] =	vst v0  }
0x35: {  	[tilespmem:s17+$0xFFFFFFF0] =	vst v0  }
0x36: {  	s18 =	simm.s32 $0x0;
	p0 =	por $0x1, $0x1;
	p1 =	por $0x0, $0x0;
	[tilespmem:s17+$0xFFFFFFE0] =	vst v0  }
.LBB2_10:
0x37: {  	s18 =	sadd.s32 $0x8, s18;
	[tilespmem:s17+$0xFFFFFFD0] =	vst v0;
	s17 =	sadd.s32 $0x80, s17  }
0x38: {  	[tilespmem:s17+$0xFFFFFFC0] =	vst v0;
	p2 =	slt.u32 s18, $0x7F8  }
0x39: {  	[tilespmem:s17+$0x30] =	vst v0  }
.Ltmp4:
0x3a: {  	[tilespmem:s17+$0x20] =	vst v0;
	(pc) =	sbr.rel @p2 .LBB2_10-.Ltmp4, $4  }
0x3b: {  	[tilespmem:s17+$0x10] =	vst v0  }
0x3c: {  	[tilespmem:s17+$0x0] =	vst v0  }
0x3d: {  	[tilespmem:s17+$0xFFFFFFF0] =	vst v0  }
0x3e: {  	[tilespmem:s17+$0xFFFFFFE0] =	vst v0  }
0x3f: {  	[tilespmem:s17+$0xFFFFFFD0] =	vst v0;
	s17 =	simm.s32 $0x0;
	v2 =	vlaneseq.u32  }
.LBB2_12:
0x40: {  	p2 =	seq.s32 s17, $0x0  }
0x41: {  	p3 =	seq.s32 @!p2 s17, $0x3  }
0x42: {  	p3 =	por p2, p3  }
.Ltmp5:
0x43: {  	s18 =	sand.u32 $0x1, s17;
	(pc) =	sbr.rel @p3 .LBB2_18-.Ltmp5, $4  }
0x44: {  	s19 =	sshllo.u32 s18, $0x1  }
0x45: {  	_ =	swait.ge [sflag:s19], $0x4000  }
0x46: {  	[sflag:s19] =	ssyncset.done $0x0  }
0x47: {  	s20 =	sor.u32 s4, s17;
	[sflag:s19] =	ssyncadd.s32 $0xFFFFC000  }
0x48: {  	s19 =	simm.s32 $0x1;
	s21 =	sadd.s32 $0x1, s20  }
0x49: {  	s24 =	sxor.u32 $0x1, s18;
	s22 =	sshll.u32 s21, $0xC;
	s23 =	sshll.u32 s21, $0x4  }
0x4a: {  	s19 =	simm.s32 @!p0 $0x0;
	s22 =	sand.u32 $0xFFF8000, s22;
	s23 =	sand.u32 $0x70, s23  }
0x4b: {  	s26 =	simm.s32 $0x80;
	s21 =	sshll.u32 s19, $0x7;
	s22 =	sor.u32 s23, s22  }
0x4c: {  	s19 =	sor.u32 $0x8000, s21;
	s23 =	sshll.u32 s24, $0x1;
	s25 =	sadd.s32 s2, s22  }
0x4d: {  	s24 =	sshllo.u32 s24, $0x1;
	s28 =	sadd.s32 $0x100, s21;
	s29 =	sadd.s32 $0x0, s25  }
.LBB2_14:
0x4e: {  	[tilespmem:s21], [sflag:s24] =	stream.linear.gather [hbm4b:s29+s3], $0x80, $0x38;
	[tilespmem:$0x18000] =	vst v63  }
0x4f: {  	s29 =	smov.u32 s26;
	s21 =	smov.u32 s28;
	p3 =	sne.s32 s26, $0x3F80  }
.Ltmp6:
0x50: {  	s26 =	sadd.s32 $0x80, s26;
	(pc) =	sbr.rel @p3 .LBB2_14-.Ltmp6, $2  }
0x51: {  	_ =	sdelay $0x2  }
0x52: {  	s28 =	sadd.s32 $0x100, s28;
	s29 =	sadd.s32 s29, s25  }
0x53: {  	[tilespmem:s21], [sflag:s24] =	stream.linear.gather [hbm4b:s29+s3], $0x80, $0x38;
	[tilespmem:$0x18000] =	vst v63  }
0x54: {  	s21 =	sadd.s32 $0x2, s23;
	s22 =	sadd.s32 s22, s9  }
0x55: {  	s23 =	simm.s32 $0x80;
	s24 =	sadd.s32 $0x100, s19;
	s25 =	sadd.s32 $0x0, s22  }
.LBB2_16:
0x56: {  	[tilespmem:s19], [sflag:s21] =	stream.linear.gather [hbm4b:s25+s3], $0x80, $0x38;
	[tilespmem:$0x18000] =	vst v63  }
0x57: {  	s25 =	smov.u32 s23;
	s19 =	smov.u32 s24;
	p3 =	sne.s32 s23, $0x3F80  }
.Ltmp7:
0x58: {  	s23 =	sadd.s32 $0x80, s23;
	(pc) =	sbr.rel @p3 .LBB2_16-.Ltmp7, $2  }
0x59: {  	_ =	sdelay $0x2  }
0x5a: {  	s24 =	sadd.s32 $0x100, s24;
	s25 =	sadd.s32 s25, s22  }
0x5b: {  	[tilespmem:s19], [sflag:s21] =	stream.linear.gather [hbm4b:s25+s3], $0x80, $0x38;
	[tilespmem:$0x18000] =	vst v63  }
.LBB2_18:
0x5c: {  	s19 =	simm.s32 $0x1  }
0x5d: {  	s19 =	simm.s32 @!p1 $0x0  }
0x5e: {  	s19 =	sshll.u32 s19, $0x9  }
0x5f: {  	s21 =	sshrl.u32 s19, $0x2  }
0x60: {  	s22 =	sor.u32 $0x100, s21  }
0x61: {  	v3 =	vld [tilespmem:s22+$0xFFFFFF00]  }
0x62: {  	v4 =	vld [tilespmem:s22+$0xFFFFFF10]  }
0x63: {  	v10 =	vld [tilespmem:s22+$0x70]  }
0x64: {  	v7 =	vld [tilespmem:s22+$0x50]  }
0x65: {  	v6 =	vld [tilespmem:s22+$0x40]  }
0x66: {  	v5 =	vld [tilespmem:s22+$0x30]  }
0x67: {  	v8 =	vld [tilespmem:s22+$0x20]  }
0x68: {  	v9 =	vld [tilespmem:s22+$0x0]  }
0x69: {  	v11 =	vld [tilespmem:s22+$0x10]  }
0x6a: {  	v12 =	vld [tilespmem:s22+$0xFFFFFF20]  }
0x6b: {  	v13 =	vld [tilespmem:s22+$0xFFFFFF30]  }
0x6c: {  	v14 =	vld [tilespmem:s22+$0xFFFFFF40]  }
0x6d: {  	v15 =	vld [tilespmem:s22+$0xFFFFFF50]  }
0x6e: {  	v16 =	vld [tilespmem:s22+$0xFFFFFF60]  }
0x6f: {  	v17 =	vld [tilespmem:s22+$0xFFFFFF70]  }
0x70: {  	v18 =	vld [tilespmem:s22+$0x60];
	s22 =	sadd.s32 $0x200, s22;
	v3 =	vmax.f32 v3, v4  }
0x71: {  	v4 =	vmax.f32 v9, v11;
	v3 =	vmax.f32 v3, v12;
	v12 =	vld [tilespmem:s22+$0xFFFFFF00]  }
0x72: {  	v8 =	vmax.f32 v4, v8;
	v4 =	vld [tilespmem:s22+$0x50];
	v3 =	vmax.f32 v3, v13  }
0x73: {  	v13 =	vld [tilespmem:s22+$0xFFFFFF10];
	v9 =	vmax.f32 v3, v14  }
0x74: {  	v8 =	vmax.f32 v8, v5;
	v5 =	vld [tilespmem:s22+$0x40];
	v9 =	vmax.f32 v9, v15  }
0x75: {  	v3 =	vld [tilespmem:s22+$0x70];
	v8 =	vmax.f32 v8, v6;
	v9 =	vmax.f32 v9, v16  }
0x76: {  	v14 =	vimm.f32 $-1.000000020e+30;
	v6 =	vld [tilespmem:s22+$0x30];
	v7 =	vmax.f32 v8, v7;
	v11 =	vmax.f32 v9, v17  }
0x77: {  	v19 =	vimm.s32 $0x0;
	v15 =	vmax.f32 v7, v18;
	v16 =	vld [tilespmem:s22+$0xFFFFFF20];
	vm6 =	vgt.f32 v11, v14  }
0x78: {  	s24 =	simm.s32 $0x0;
	v9 =	vld [tilespmem:s22+$0x20];
	v10 =	vmax.f32 v15, v10;
	v12 =	vmax.f32 v12, v13;
	v8 =	vsel vm6, v11, v14  }
0x79: {  	s25 =	sshll.u32 s20, $0x4;
	v17 =	vld [tilespmem:s22+$0xFFFFFF30];
	v7 =	vsel vm6, s24, v19;
	v18 =	vsel vm6, s24, v19;
	v15 =	vsel vm6, v14, v8  }
0x7a: {  	s23 =	sshll.u32 s18, $0x1;
	s18 =	sand.u32 $0x70, s25;
	s25 =	simm.s32 $0x1;
	v13 =	vld [tilespmem:s22+$0x10];
	vm4 =	vgt.f32 v10, v8;
	v14 =	vsel vm6, v19, v18;
	vm5 =	vgt.f32 v10, v15  }
0x7b: {  	s20 =	sor.u32 $0x8170, s21;
	s21 =	simm.s32 $0x2;
	v11 =	vld [tilespmem:s22+$0x0];
	s24 =	simm.s32 $0x4;
	v18 =	vsel vm6, v19, v18;
	v19 =	vsel vm5, v10, v15;
	vm6 =	vmmov vm5  }
.LBB2_19:
0x7c: {  	p3 =	slt.u32 s24, $0x7E;
	v20 =	vld [tilespmem:s22+$0xFFFFFF40];
	v19 =	vsel vm5, v15, v19;
	v15 =	vsel vm5, v10, v15;
	v21 =	vsel vm5, s25, v14  }
0x7d: {  	v18 =	vsel vm6, s25, v18;
	v22 =	vld [tilespmem:s22+$0xFFFFFF50];
	v15 =	vsel vm4, v8, v15;
	v21 =	vsel vm4, v7, v21  }
0x7e: {  	v24 =	vsel vm4, s25, v7;
	v14 =	vsel vm5, v14, v18;
	v18 =	vsel vm4, v10, v8;
	v23 =	vld [tilespmem:s22+$0xFFFFFF60]  }
0x7f: {  	v7 =	vmax.f32 v12, v16;
	v8 =	vld [tilespmem:s22+$0xFFFFFF70]  }
0x80: {  	v10 =	vmax.f32 v11, v13;
	v7 =	vmax.f32 v7, v17;
	v11 =	vld [tilespmem:s22+$0x60];
	s22 =	sadd.s32 $0x200, s22  }
0x81: {  	v9 =	vmax.f32 v10, v9;
	v12 =	vld [tilespmem:s22+$0xFFFFFF00];
	v7 =	vmax.f32 v7, v20  }
0x82: {  	v6 =	vmax.f32 v9, v6;
	v13 =	vld [tilespmem:s22+$0xFFFFFF10];
	v7 =	vmax.f32 v7, v22  }
0x83: {  	v5 =	vmax.f32 v6, v5;
	v16 =	vld [tilespmem:s22+$0x70];
	v7 =	vmax.f32 v7, v23  }
0x84: {  	v6 =	vmax.f32 v5, v4;
	v17 =	vmax.f32 v7, v8;
	v4 =	vld [tilespmem:s22+$0x50]  }
0x85: {  	v5 =	vld [tilespmem:s22+$0x40];
	vm5 =	vgt.f32 v17, v18;
	v9 =	vmax.f32 v6, v11  }
0x86: {  	v6 =	vld [tilespmem:s22+$0x30];
	v8 =	vsel vm5, v17, v18;
	v7 =	vsel vm5, s21, v24;
	v10 =	vmax.f32 v9, v3  }
.Ltmp8:
0x87: {  	vm6 =	vgt.f32 v17, v19;
	v12 =	vmax.f32 v12, v13;
	v9 =	vld [tilespmem:s22+$0x20];
	vm4 =	vgt.f32 v10, v8;
	(pc) =	sbr.rel @p3 .LBB2_19-.Ltmp8, $4  }
0x88: {  	vm7 =	vgt.f32 v17, v15;
	v19 =	vsel vm6, v17, v19;
	v20 =	vsel vm6, s21, v14;
	v11 =	vld [tilespmem:s22+$0x0];
	v3 =	vmovc v16  }
0x89: {  	v14 =	vsel vm7, v17, v15;
	v17 =	vsel vm7, s21, v21;
	v19 =	vsel vm7, v15, v19;
	v13 =	vld [tilespmem:s22+$0x10]  }
0x8a: {  	v15 =	vsel vm5, v18, v14;
	v14 =	vsel vm5, v24, v17;
	vm6 =	vgt.f32 v10, v19;
	v16 =	vld [tilespmem:s22+$0xFFFFFF20]  }
0x8b: {  	s25 =	sadd.s32 $0x1, s21;
	s21 =	smov.u32 s24;
	s24 =	sadd.s32 $0x2, s24;
	v18 =	vsel vm7, v21, v20;
	vm5 =	vgt.f32 v10, v15;
	v19 =	vsel vm6, v10, v19;
	v17 =	vld [tilespmem:s22+$0xFFFFFF30]  }
0x8c: {  	v20 =	vld [tilespmem:s22+$0xFFFFFF40]  }
0x8d: {  	v21 =	vld [tilespmem:s22+$0xFFFFFF50]  }
0x8e: {  	v22 =	vld [tilespmem:s22+$0xFFFFFF60]  }
0x8f: {  	v23 =	vld [tilespmem:s22+$0xFFFFFF70];
	s29 =	sadd.s32 $0x2, s23  }
0x90: {  	v24 =	vld [tilespmem:s22+$0x60];
	_ =	swait.ge [sflag:s29], $0x4000  }
0x91: {  	[sflag:s29] =	ssyncset.done $0x0  }
0x92: {  	[sflag:s29] =	ssyncadd.s32 $0xFFFFC000  }
0x93: {  	v11 =	vmax.f32 v11, v13;
	v12 =	vmax.f32 v12, v16;
	v16 =	vld [tilespmem:s20+$0xFFFFFE90]  }
0x94: {  	v9 =	vmax.f32 v11, v9;
	v12 =	vmax.f32 v12, v17;
	v17 =	vsel vm6, s25, v18;
	v13 =	vld [tilespmem:s20+$0xFFFFFEA0]  }
0x95: {  	v18 =	vsel vm5, v15, v19;
	v15 =	vsel vm5, v10, v15;
	v11 =	vld [tilespmem:s20+$0x0];
	v19 =	vsel vm5, s25, v14  }
0x96: {  	v6 =	vmax.f32 v9, v6;
	v59 =	vld [tilespmem:s20+$0xFFFFFEB0];
	v12 =	vmax.f32 v12, v20;
	v15 =	vsel vm4, v8, v15  }
0x97: {  	v60 =	vld [tilespmem:s20+$0xFFFFFEC0];
	v19 =	vsel vm4, v7, v19;
	v5 =	vmax.f32 v6, v5;
	v12 =	vmax.f32 v12, v21  }
0x98: {  	v20 =	vld [tilespmem:s20+$0xFFFFFFE0];
	v8 =	vsel vm4, v10, v8;
	v4 =	vmax.f32 v5, v4;
	v9 =	vmax.f32 v12, v22  }
0x99: {  	v10 =	vsel vm5, v14, v17;
	v17 =	vld [tilespmem:s20+$0xFFFFFF90];
	v4 =	vmax.f32 v4, v24;
	v6 =	vmax.f32 v9, v23  }
0x9a: {  	v7 =	vsel vm4, s25, v7;
	v5 =	vld [tilespmem:s20+$0xFFFFFFB0];
	v3 =	vmax.f32 v4, v3;
	vm5 =	vgt.f32 v6, v8  }
0x9b: {  	v12 =	vld [tilespmem:s20+$0xFFFFFFD0];
	vm4 =	vgt.f32 v6, v18;
	vm6 =	vgt.f32 v6, v15;
	v13 =	vmax.f32 v16, v13  }
0x9c: {  	v9 =	vld [tilespmem:s20+$0xFFFFFFC0];
	v14 =	vsel vm5, v6, v8;
	v58 =	vsel vm5, s21, v7;
	v18 =	vsel vm4, v6, v18  }
0x9d: {  	v4 =	vld [tilespmem:s20+$0xFFFFFFA0];
	v10 =	vsel vm4, s21, v10;
	v6 =	vsel vm6, v6, v15;
	v18 =	vsel vm6, v15, v18  }
0x9e: {  	v15 =	vsel vm6, s21, v19;
	v6 =	vsel vm5, v8, v6;
	v8 =	vld [tilespmem:s20+$0xFFFFFED0];
	vm4 =	vgt.f32 v3, v18  }
0x9f: {  	v13 =	vmax.f32 v13, v59;
	v7 =	vsel vm5, v7, v15;
	v15 =	vsel vm4, v3, v18;
	v18 =	vld [tilespmem:s20+$0xFFFFFEE0]  }
0xa0: {  	s30 =	sadd.s32 $0x1, s21;
	v16 =	vld [tilespmem:s20+$0xFFFFFEF0];
	v10 =	vsel vm6, v19, v10;
	vm6 =	vgt.f32 v3, v14;
	vm5 =	vgt.f32 v3, v6  }
0xa1: {  	v19 =	vld [tilespmem:s20+$0xFFFFFF00];
	v13 =	vmax.f32 v13, v60;
	v10 =	vsel vm4, s30, v10;
	v61 =	vsel vm5, s30, v7  }
0xa2: {  	s21 =	sadd.s32 $0x200, s20;
	v4 =	vmax.f32 v17, v4;
	v17 =	vld [tilespmem:s20+$0xFFFFFFF0];
	v15 =	vsel vm5, v6, v15;
	v6 =	vsel vm5, v3, v6  }
0xa3: {  	v63 =	vld [tilespmem:s21+$0xFFFFFE90];
	v4 =	vmax.f32 v4, v5;
	v62 =	vsel vm6, v14, v6;
	v6 =	vmax.f32 v13, v8  }
0xa4: {  	v22 =	vsel vm6, v58, v61;
	v8 =	vld [tilespmem:s21+$0xFFFFFEA0];
	v5 =	vmax.f32 v6, v18;
	v6 =	vmax.f32 v4, v9  }
0xa5: {  	v13 =	vld [tilespmem:s21+$0xFFFFFF90];
	v18 =	vsel vm5, v7, v10;
	v5 =	vmax.f32 v5, v16;
	v6 =	vmax.f32 v6, v12  }
0xa6: {  	v4 =	vld [tilespmem:s21+$0x0];
	v12 =	vsel vm6, v3, v14;
	v14 =	vmax.f32 v5, v19;
	v6 =	vmax.f32 v6, v20  }
0xa7: {  	v7 =	vld [tilespmem:s21+$0xFFFFFFC0];
	v16 =	vsel vm6, s30, v58;
	vm4 =	vgt.f32 v14, v12;
	v9 =	vmax.f32 v6, v17  }
0xa8: {  	s31 =	simm.s32 $0x80;
	v3 =	vld [tilespmem:s21+$0xFFFFFFE0];
	vm6 =	vgt.f32 v14, v15;
	vm8 =	vgt.f32 v14, v62;
	v6 =	vsel vm4, v14, v12  }
0xa9: {  	v5 =	vld [tilespmem:s21+$0xFFFFFFD0];
	v10 =	vsel vm4, s31, v16;
	v11 =	vmax.f32 v9, v11;
	v9 =	vmax.f32 v63, v8  }
0xaa: {  	v8 =	vld [tilespmem:s21+$0xFFFFFFB0];
	v17 =	vsel vm6, v14, v15;
	v20 =	vsel vm6, s31, v18;
	v14 =	vsel vm8, v14, v62  }
0xab: {  	v15 =	vld [tilespmem:s21+$0xFFFFFFA0];
	v19 =	vsel vm8, s31, v22;
	vm5 =	vgt.f32 v11, v6;
	v17 =	vsel vm8, v62, v17  }
0xac: {  	v18 =	vld [tilespmem:s21+$0xFFFFFEB0];
	v14 =	vsel vm4, v12, v14;
	v12 =	vsel vm4, v16, v19;
	vm7 =	vgt.f32 v11, v17  }
0xad: {  	s22 =	simm.s32 $0x84;
	s23 =	simm.s32 $0x81;
	s20 =	simm.s32 $0x82;
	v19 =	vld [tilespmem:s21+$0xFFFFFEC0];
	v16 =	vsel vm8, v22, v20;
	vm6 =	vgt.f32 v11, v14;
	v17 =	vsel vm7, v11, v17  }
.LBB2_21:
0xae: {  	p3 =	slt.u32 s22, $0xFE;
	v20 =	vld [tilespmem:s21+$0xFFFFFED0];
	v17 =	vsel vm6, v14, v17;
	v14 =	vsel vm6, v11, v14;
	v21 =	vsel vm6, s23, v12  }
0xaf: {  	v16 =	vsel vm7, s23, v16;
	v22 =	vld [tilespmem:s21+$0xFFFFFEE0];
	v14 =	vsel vm5, v6, v14;
	v21 =	vsel vm5, v10, v21  }
0xb0: {  	v24 =	vsel vm5, s23, v10;
	v12 =	vsel vm6, v12, v16;
	v16 =	vsel vm5, v11, v6;
	v23 =	vld [tilespmem:s21+$0xFFFFFEF0]  }
0xb1: {  	v6 =	vmax.f32 v9, v18;
	v9 =	vld [tilespmem:s21+$0xFFFFFF00]  }
0xb2: {  	v10 =	vmax.f32 v13, v15;
	v6 =	vmax.f32 v6, v19;
	v11 =	vld [tilespmem:s21+$0xFFFFFFF0];
	s21 =	sadd.s32 $0x200, s21  }
0xb3: {  	v8 =	vmax.f32 v10, v8;
	v13 =	vld [tilespmem:s21+$0xFFFFFE90];
	v6 =	vmax.f32 v6, v20  }
0xb4: {  	v7 =	vmax.f32 v8, v7;
	v15 =	vld [tilespmem:s21+$0xFFFFFEA0];
	v6 =	vmax.f32 v6, v22  }
0xb5: {  	v5 =	vmax.f32 v7, v5;
	v18 =	vld [tilespmem:s21+$0x0];
	v6 =	vmax.f32 v6, v23  }
0xb6: {  	v19 =	vmax.f32 v6, v9;
	v6 =	vmax.f32 v5, v3;
	v3 =	vld [tilespmem:s21+$0xFFFFFFE0]  }
0xb7: {  	v5 =	vld [tilespmem:s21+$0xFFFFFFD0];
	vm4 =	vgt.f32 v19, v16;
	v8 =	vmax.f32 v6, v11  }
0xb8: {  	v7 =	vld [tilespmem:s21+$0xFFFFFFC0];
	v6 =	vsel vm4, v19, v16;
	v10 =	vsel vm4, s20, v24;
	v11 =	vmax.f32 v8, v4  }
.Ltmp9:
0xb9: {  	vm6 =	vgt.f32 v19, v17;
	v9 =	vmax.f32 v13, v15;
	v8 =	vld [tilespmem:s21+$0xFFFFFFB0];
	vm5 =	vgt.f32 v11, v6;
	(pc) =	sbr.rel @p3 .LBB2_21-.Ltmp9, $4  }
0xba: {  	vm8 =	vgt.f32 v19, v14;
	v17 =	vsel vm6, v19, v17;
	v20 =	vsel vm6, s20, v12;
	v13 =	vld [tilespmem:s21+$0xFFFFFF90];
	v4 =	vmovc v18  }
0xbb: {  	v12 =	vsel vm8, v19, v14;
	v19 =	vsel vm8, s20, v21;
	v17 =	vsel vm8, v14, v17;
	v15 =	vld [tilespmem:s21+$0xFFFFFFA0]  }
0xbc: {  	v14 =	vsel vm4, v16, v12;
	v12 =	vsel vm4, v24, v19;
	vm7 =	vgt.f32 v11, v17;
	v18 =	vld [tilespmem:s21+$0xFFFFFEB0]  }
0xbd: {  	s23 =	sadd.s32 $0x1, s20;
	s20 =	smov.u32 s22;
	s22 =	sadd.s32 $0x2, s22;
	v16 =	vsel vm8, v21, v20;
	vm6 =	vgt.f32 v11, v14;
	v17 =	vsel vm7, v11, v17;
	v19 =	vld [tilespmem:s21+$0xFFFFFEC0]  }
0xbe: {  	v20 =	vld [tilespmem:s21+$0xFFFFFED0]  }
0xbf: {  	v21 =	vld [tilespmem:s21+$0xFFFFFEE0]  }
0xc0: {  	v22 =	vld [tilespmem:s21+$0xFFFFFEF0]  }
0xc1: {  	v9 =	vmax.f32 v9, v18;
	v18 =	vld [tilespmem:s21+$0xFFFFFF00]  }
0xc2: {  	v13 =	vmax.f32 v13, v15;
	v15 =	vld [tilespmem:s21+$0xFFFFFFF0];
	v9 =	vmax.f32 v9, v19  }
0xc3: {  	v8 =	vmax.f32 v13, v8;
	v9 =	vmax.f32 v9, v20  }
0xc4: {  	v7 =	vmax.f32 v8, v7;
	v9 =	vmax.f32 v9, v21  }
0xc5: {  	v5 =	vmax.f32 v7, v5;
	v8 =	vmax.f32 v9, v22  }
0xc6: {  	v13 =	vsel vm5, v11, v6;
	v3 =	vmax.f32 v5, v3;
	v18 =	vmax.f32 v8, v18  }
0xc7: {  	v3 =	vmax.f32 v3, v15;
	vm9 =	vgt.f32 v18, v13  }
0xc8: {  	v3 =	vmax.f32 v3, v4;
	v5 =	vsel vm9, v18, v13  }
0xc9: {  	vm8 =	vgt.f32 v3, v5  }
0xca: {  	v7 =	vsel vm8, v3, v5  }
0xcb: {  	(xrf0) =	vmax.scan.msk.f32 $0xffff, v7;
	_ =	sdelay $0x3  }
0xcc: {  	v4 =	vsel vm5, s23, v10  }
0xcd: {  	s26 =	sadd.s32 $0x1, s20;
	v15 =	vsel vm9, s20, v4  }
0xce: {  	v8 =	vsel vm8, s26, v15;
	v9, _, _ =	vpop (xrf0)  }
0xcf: {  	v19 =	vbroadcast v9, $0xF;
	v9 =	vshll.u32 v8, $0x4  }
0xd0: {  	v9 =	vor.u32 v1, v9  }
0xd1: {  	vm4 =	veq.f32 v7, v19;
	v19 =	vxor.u32 $0x80000000, v9  }
0xd2: {  	v19 =	vnsel vm4, $0xFFFFFFFF, v19  }
0xd3: {  	(xrf0) =	vmin.scan.msk.u32 $0xffff, v19;
	_ =	sdelay $0x5  }
0xd4: {  	v19, _, _ =	vpop (xrf0)  }
0xd5: {  	(v2sf) =	vpush v19, $0xF;
	_ =	sdelay $0xb  }
0xd6: {  	v16 =	vsel vm7, s23, v16;
	v11 =	vsel vm6, v11, v14  }
0xd7: {  	v14 =	vsel vm6, v14, v17;
	v6 =	vsel vm5, v6, v11;
	v19 =	vsel vm6, s23, v12  }
0xd8: {  	v11 =	vsel vm6, v12, v16;
	v10 =	vsel vm5, v10, v19;
	vm5 =	vgt.f32 v18, v14  }
0xd9: {  	vm6 =	vgt.f32 v18, v6;
	v12 =	vsel vm5, v18, v14;
	v11 =	vsel vm5, s20, v11;
	s22 =	spop (v2sf)  }
0xda: {  	v14 =	vsel vm6, v18, v6;
	v6 =	vsel vm6, v6, v12;
	v12 =	vsel vm6, s20, v10;
	s20 =	sxor.u32 $0x80000000, s22  }
0xdb: {  	v13 =	vsel vm9, v13, v14;
	s22 =	sshrl.u32 s20, $0x4  }
0xdc: {  	v12 =	vsel vm9, v4, v12;
	vm5 =	vgt.f32 v3, v6;
	vm7 =	vgt.f32 v3, v13;
	s28 =	sshll.u32 s22, $0xA  }
0xdd: {  	v4 =	vsel vm6, v10, v11;
	v6 =	vsel vm5, v3, v6;
	v10 =	vsel vm7, s26, v12;
	s29 =	sor.u32 s19, s28  }
0xde: {  	v11 =	vsel vm5, s26, v4;
	v3 =	vsel vm7, v3, v13;
	v4 =	vsel vm7, v13, v6;
	s21 =	sshra.s32 s29, $0x2  }
0xdf: {  	v6 =	vsel vm8, v5, v3;
	v3 =	vsel vm7, v12, v11;
	v12 =	vmov s21;
	_ =	sdelay $0x3  }
0xe0: {  	s30 =	simm.s32 $0x0  }
0xe1: {  	v20 =	vld.idx.msk [tilespmem:v12+s30+$0x0 ss:$0x1], $0xffff;
	_ =	sdelay $0x1  }
0xe2: {  	s22 =	sshll.u32 s22, $0x3  }
0xe3: {  	v16 =	vimm.s32 $0x0;
	v11 =	vmov s22  }
0xe4: {  	v5 =	vsel vm8, v15, v10;
	v10 =	vimm.f32 $-1.000000020e+30;
	vm5 =	veq.s32 v11, v16  }
0xe5: {  	vm10 =	vlt.s32 v11, v16;
	s21 =	sadd.s32 $0x1, s22;
	vm6 =	veq.f32 v20, v10;
	vm8 =	veq.f32 v20, v10  }
0xe6: {  	v17 =	vmov s21;
	vm9 =	vmand vm5, vm6;
	vm5 =	vmand vm5, vm8  }
0xe7: {  	vm7 =	vgt.f32 v20, v10;
	vm11 =	vgt.f32 v20, v10;
	vm5 =	vmor vm9, vm5  }
0xe8: {  	s31 =	simm.s32 $0x10;
	vm6 =	vmand vm10, vm6;
	vm8 =	vmand vm10, vm8;
	vm5 =	vmor vm9, vm5  }
0xe9: {  	v11 =	vld.idx.msk [tilespmem:v12+s31+$0x0 ss:$0x1], $0xffff;
	vm7 =	vmor vm7, vm6;
	vm8 =	vmor vm11, vm8;
	vm5 =	vmneg vm5  }
0xea: {  	vm6 =	vmor vm11, vm6;
	vm13 =	vmand vm8, vm5;
	vm7 =	vmand vm7, vm5  }
0xeb: {  	vm5 =	vmand vm6, vm5;
	v18 =	vsel vm7, v20, v10;
	v13 =	vsel vm7, s22, v16  }
0xec: {  	v14 =	vsel vm5, s22, v16;
	v15 =	vsel vm13, v16, v13;
	v13 =	vsel vm5, v20, v10  }
0xed: {  	vm8 =	veq.s32 v17, v14;
	v19 =	vsel vm13, v10, v18;
	v18 =	vsel vm13, s22, v16  }
0xee: {  	v20 =	vsel vm13, v20, v10;
	vm6 =	veq.s32 v17, v15;
	vm10 =	veq.f32 v11, v19  }
0xef: {  	vm7 =	vgt.f32 v11, v19;
	vm12 =	vlt.s32 v17, v15;
	v18 =	vsel vm5, v16, v18  }
0xf0: {  	s23 =	simm.s32 $0x80;
	s22 =	smov.u32 s21;
	vm9 =	veq.f32 v11, v13;
	v16 =	vmovc v14;
	vm6 =	vmand vm6, vm10;
	vm11 =	veq.s32 v17, v18  }
.LBB2_23:
0xf1: {  	s24 =	sshra.s32 s23, $0x2;
	p3 =	seq.s32 s23, $0x1C0;
	s23 =	sadd.s32 $0x40, s23;
	vm13 =	vlt.s32 v17, v18;
	vm10 =	vmand vm12, vm10;
	v20 =	vsel vm5, v10, v20;
	v10 =	vmovc v13  }
0xf2: {  	vm5 =	vmand vm8, vm9;
	v21 =	vld.idx.msk [tilespmem:v12+s24+$0x0 ss:$0x1], $0xffff;
	vm8 =	veq.f32 v11, v20;
	vm12 =	vgt.f32 v11, v20  }
0xf3: {  	vm7 =	vmor vm7, vm10;
	vm11 =	vmand vm11, vm8;
	vm8 =	vmand vm13, vm8  }
0xf4: {  	vm10 =	vlt.s32 v17, v14;
	vm5 =	vmor vm5, vm11;
	vm8 =	vmor vm12, vm8  }
0xf5: {  	s21 =	sadd.s32 $0x1, s21;
	vm9 =	vmand vm10, vm9;
	vm5 =	vmor vm6, vm5;
	vm6 =	vgt.f32 v11, v13  }
0xf6: {  	v17 =	vmov s21;
	vm5 =	vmneg vm5;
	vm6 =	vmor vm6, vm9  }
0xf7: {  	vm13 =	vmand vm8, vm5;
	vm7 =	vmand vm7, vm5  }
0xf8: {  	vm5 =	vmand vm6, vm5;
	v19 =	vsel vm7, v11, v19;
	v15 =	vsel vm7, s22, v15  }
.Ltmp10:
0xf9: {  	v13 =	vsel vm5, v11, v13;
	v14 =	vsel vm5, s22, v14;
	v15 =	vsel vm13, v18, v15;
	(pc) =	sbr.rel @!p3 .LBB2_23-.Ltmp10, $4  }
0xfa: {  	vm8 =	veq.s32 v17, v14;
	v19 =	vsel vm13, v20, v19;
	vm6 =	veq.s32 v17, v15  }
0xfb: {  	v18 =	vsel vm13, s22, v18;
	s22 =	smov.u32 s21;
	vm10 =	veq.f32 v21, v19;
	vm7 =	vgt.f32 v21, v19  }
0xfc: {  	vm12 =	vlt.s32 v17, v15;
	v18 =	vsel vm5, v16, v18;
	v16 =	vmovc v14;
	vm6 =	vmand vm6, vm10  }
0xfd: {  	vm9 =	veq.f32 v21, v13;
	v20 =	vsel vm13, v11, v20;
	v11 =	vmovc v21;
	vm11 =	veq.s32 v17, v18  }
0xfe: {  	v12 =	vsel vm5, v10, v20;
	vm5 =	vlt.s32 v17, v18  }
0xff: {  	vm10 =	vmand vm12, vm10;
	vm8 =	vmand vm8, vm9;
	vm13 =	veq.f32 v11, v12  }
0x100: {  	vm12 =	vgt.f32 v11, v12;
	vm7 =	vmor vm7, vm10;
	vm11 =	vmand vm11, vm13  }
0x101: {  	vm10 =	vlt.s32 v17, v14;
	vm5 =	vmand vm5, vm13;
	vm8 =	vmor vm8, vm11  }
0x102: {  	vm9 =	vmand vm10, vm9;
	vm6 =	vmor vm6, vm8;
	vm8 =	vgt.f32 v11, v13  }
0x103: {  	vm5 =	vmor vm12, vm5;
	vm6 =	vmneg vm6;
	vm8 =	vmor vm8, vm9  }
0x104: {  	vm7 =	vmand vm7, vm6;
	vm5 =	vmand vm5, vm6;
	vm6 =	vmand vm8, vm6  }
0x105: {  	v10 =	vsel vm7, s22, v15;
	v17 =	vsel vm7, v11, v19;
	v20 =	vsel vm6, s22, v14  }
0x106: {  	v15 =	vsel vm5, v18, v10;
	v10 =	vsel vm6, v11, v13;
	v18 =	vsel vm5, s22, v18  }
0x107: {  	v11 =	vsel vm5, v11, v12;
	v14 =	vsel vm5, v12, v17;
	vm5 =	veq.s32 v9, s20  }
0x108: {  	vm5 =	vmand vm4, vm5  }
0x109: {  	v7 =	vsel vm5, v6, v7  }
0x10a: {  	(xrf0) =	vmax.scan.msk.f32 $0xffff, v7;
	_ =	sdelay $0x5  }
0x10b: {  	v18 =	vsel vm6, v16, v18;
	v8 =	vsel vm5, v5, v8;
	v9, _, _ =	vpop (xrf0)  }
0x10c: {  	v16 =	vsel vm6, v13, v11;
	v11 =	vbroadcast v9, $0xF;
	v9 =	vshll.u32 v8, $0x4  }
0x10d: {  	v9 =	vor.u32 v1, v9  }
0x10e: {  	vm4 =	veq.f32 v7, v11;
	v11 =	vxor.u32 $0x80000000, v9  }
0x10f: {  	v11 =	vnsel vm4, $0xFFFFFFFF, v11  }
0x110: {  	(xrf0) =	vmin.scan.msk.u32 $0xffff, v11;
	_ =	sdelay $0x5  }
0x111: {  	v11, _, _ =	vpop (xrf0)  }
0x112: {  	(v2sf) =	vpush v11, $0xF;
	_ =	sdelay $0xe  }
0x113: {  	s26 =	spop (v2sf)  }
0x114: {  	s20 =	sxor.u32 $0x80000000, s26  }
0x115: {  	s21 =	sshrl.u32 s20, $0x4  }
0x116: {  	s28 =	sshll.u32 s21, $0xA  }
0x117: {  	s22 =	sor.u32 s19, s28  }
0x118: {  	s23 =	sshra.s32 s22, $0x2  }
0x119: {  	v11 =	vmov s23;
	_ =	sdelay $0x3  }
0x11a: {  	s30 =	simm.s32 $0x0  }
0x11b: {  	v21 =	vld.idx.msk [tilespmem:v11+s30+$0x0 ss:$0x1], $0xffff  }
0x11c: {  	s29 =	sshll.u32 s21, $0x3  }
0x11d: {  	v12 =	vmov s29  }
0x11e: {  	s21 =	sadd.s32 $0x1, s29;
	vm6 =	veq.s32 v12, v20;
	vm7 =	veq.s32 v12, v15;
	vm10 =	vlt.s32 v12, v15  }
0x11f: {  	vm12 =	veq.s32 v12, v18;
	vm13 =	vlt.s32 v12, v18;
	v17 =	vmov s21  }
0x120: {  	vm8 =	veq.f32 v21, v14;
	vm9 =	vgt.f32 v21, v14;
	vm11 =	veq.f32 v21, v10  }
0x121: {  	vm7 =	vmand vm7, vm8;
	vm8 =	vmand vm10, vm8;
	vm10 =	veq.f32 v21, v16  }
0x122: {  	vm14 =	vgt.f32 v21, v16;
	vm6 =	vmand vm6, vm11;
	vm12 =	vmand vm12, vm10  }
0x123: {  	vm10 =	vmand vm13, vm10;
	vm8 =	vmor vm9, vm8;
	vm6 =	vmor vm6, vm12  }
0x124: {  	s31 =	simm.s32 $0x10;
	vm9 =	vlt.s32 v12, v20;
	vm10 =	vmor vm14, vm10;
	vm6 =	vmor vm7, vm6  }
0x125: {  	v12 =	vld.idx.msk [tilespmem:v11+s31+$0x0 ss:$0x1], $0xffff;
	vm9 =	vmand vm9, vm11;
	vm7 =	vgt.f32 v21, v10;
	vm6 =	vmneg vm6  }
0x126: {  	vm7 =	vmor vm7, vm9;
	vm14 =	vmand vm10, vm6;
	vm8 =	vmand vm8, vm6  }
0x127: {  	vm6 =	vmand vm7, vm6;
	v19 =	vsel vm8, v21, v14;
	v13 =	vsel vm8, s29, v15  }
0x128: {  	v14 =	vsel vm6, s29, v20;
	v15 =	vsel vm14, v18, v13;
	v13 =	vsel vm6, v21, v10  }
0x129: {  	vm9 =	veq.s32 v17, v14;
	v19 =	vsel vm14, v16, v19;
	v18 =	vsel vm14, s29, v18  }
0x12a: {  	vm7 =	veq.s32 v17, v15;
	vm11 =	veq.f32 v12, v19;
	vm8 =	vgt.f32 v12, v19  }
0x12b: {  	vm13 =	vlt.s32 v17, v15;
	v18 =	vsel vm6, v20, v18;
	vm10 =	veq.f32 v12, v13  }
0x12c: {  	s22 =	smov.u32 s21;
	s23 =	simm.s32 $0x80;
	v20 =	vsel vm14, v21, v16;
	v16 =	vmovc v14;
	vm7 =	vmand vm7, vm11;
	vm12 =	veq.s32 v17, v18  }
.LBB2_25:
0x12d: {  	s24 =	sshra.s32 s23, $0x2;
	p3 =	seq.s32 s23, $0x1C0;
	s23 =	sadd.s32 $0x40, s23;
	vm14 =	vlt.s32 v17, v18;
	vm11 =	vmand vm13, vm11;
	v20 =	vsel vm6, v10, v20;
	v10 =	vmovc v13  }
0x12e: {  	vm6 =	vmand vm9, vm10;
	v21 =	vld.idx.msk [tilespmem:v11+s24+$0x0 ss:$0x1], $0xffff;
	vm9 =	veq.f32 v12, v20;
	vm13 =	vgt.f32 v12, v20  }
0x12f: {  	vm8 =	vmor vm8, vm11;
	vm12 =	vmand vm12, vm9;
	vm9 =	vmand vm14, vm9  }
0x130: {  	vm11 =	vlt.s32 v17, v14;
	vm6 =	vmor vm6, vm12;
	vm9 =	vmor vm13, vm9  }
0x131: {  	s21 =	sadd.s32 $0x1, s21;
	vm10 =	vmand vm11, vm10;
	vm6 =	vmor vm7, vm6;
	vm7 =	vgt.f32 v12, v13  }
0x132: {  	v17 =	vmov s21;
	vm6 =	vmneg vm6;
	vm7 =	vmor vm7, vm10  }
0x133: {  	vm14 =	vmand vm9, vm6;
	vm8 =	vmand vm8, vm6  }
0x134: {  	vm6 =	vmand vm7, vm6;
	v19 =	vsel vm8, v12, v19;
	v15 =	vsel vm8, s22, v15  }
.Ltmp11:
0x135: {  	v13 =	vsel vm6, v12, v13;
	v14 =	vsel vm6, s22, v14;
	v15 =	vsel vm14, v18, v15;
	(pc) =	sbr.rel @!p3 .LBB2_25-.Ltmp11, $4  }
0x136: {  	vm9 =	veq.s32 v17, v14;
	v19 =	vsel vm14, v20, v19;
	vm7 =	veq.s32 v17, v15  }
0x137: {  	v18 =	vsel vm14, s22, v18;
	s22 =	smov.u32 s21;
	vm11 =	veq.f32 v21, v19;
	vm8 =	vgt.f32 v21, v19  }
0x138: {  	vm13 =	vlt.s32 v17, v15;
	v18 =	vsel vm6, v16, v18;
	v16 =	vmovc v14;
	vm7 =	vmand vm7, vm11  }
0x139: {  	vm10 =	veq.f32 v21, v13;
	v20 =	vsel vm14, v12, v20;
	v12 =	vmovc v21;
	vm12 =	veq.s32 v17, v18  }
0x13a: {  	v10 =	vsel vm6, v10, v20;
	vm6 =	vlt.s32 v17, v18  }
0x13b: {  	vm11 =	vmand vm13, vm11;
	vm9 =	vmand vm9, vm10;
	vm14 =	veq.f32 v12, v10  }
0x13c: {  	vm13 =	vgt.f32 v12, v10;
	vm8 =	vmor vm8, vm11;
	vm12 =	vmand vm12, vm14  }
0x13d: {  	vm11 =	vlt.s32 v17, v14;
	vm6 =	vmand vm6, vm14;
	vm9 =	vmor vm9, vm12  }
0x13e: {  	vm10 =	vmand vm11, vm10;
	vm7 =	vmor vm7, vm9;
	vm9 =	vgt.f32 v12, v13  }
0x13f: {  	vm6 =	vmor vm13, vm6;
	vm7 =	vmneg vm7;
	vm9 =	vmor vm9, vm10  }
0x140: {  	vm8 =	vmand vm8, vm7;
	vm6 =	vmand vm6, vm7;
	vm7 =	vmand vm9, vm7  }
0x141: {  	v11 =	vsel vm8, s22, v15;
	v17 =	vsel vm8, v12, v19;
	v20 =	vsel vm7, s22, v14  }
0x142: {  	v14 =	vsel vm6, s22, v18;
	v19 =	vsel vm6, v12, v10;
	v15 =	vsel vm6, v18, v11  }
0x143: {  	v11 =	vsel vm7, v12, v13;
	v12 =	vsel vm6, v10, v17;
	vm6 =	veq.s32 v9, s20  }
0x144: {  	v6 =	vsel vm5, v4, v6;
	vm4 =	vmand vm4, vm6  }
0x145: {  	v7 =	vsel vm4, v6, v7  }
0x146: {  	(xrf0) =	vmax.scan.msk.f32 $0xffff, v7;
	_ =	sdelay $0x4  }
0x147: {  	v5 =	vsel vm5, v3, v5  }
0x148: {  	v8 =	vsel vm4, v5, v8;
	v9, _, _ =	vpop (xrf0)  }
0x149: {  	v10 =	vshll.u32 v8, $0x4;
	v9 =	vbroadcast v9, $0xF  }
0x14a: {  	v10 =	vor.u32 v1, v10  }
0x14b: {  	vm6 =	veq.f32 v7, v9;
	v9 =	vxor.u32 $0x80000000, v10  }
0x14c: {  	v9 =	vnsel vm6, $0xFFFFFFFF, v9  }
0x14d: {  	(xrf0) =	vmin.scan.msk.u32 $0xffff, v9;
	_ =	sdelay $0x5  }
0x14e: {  	v9, _, _ =	vpop (xrf0)  }
0x14f: {  	(v2sf) =	vpush v9, $0xF;
	_ =	sdelay $0xe  }
0x150: {  	s26 =	spop (v2sf)  }
0x151: {  	s20 =	sxor.u32 $0x80000000, s26  }
0x152: {  	s21 =	sshrl.u32 s20, $0x4  }
0x153: {  	s28 =	sshll.u32 s21, $0xA  }
0x154: {  	s22 =	sor.u32 s19, s28  }
0x155: {  	s23 =	sshra.s32 s22, $0x2  }
0x156: {  	v9 =	vmov s23;
	_ =	sdelay $0x3  }
0x157: {  	s30 =	simm.s32 $0x0  }
0x158: {  	v21 =	vld.idx.msk [tilespmem:v9+s30+$0x0 ss:$0x1], $0xffff  }
0x159: {  	s29 =	sshll.u32 s21, $0x3  }
0x15a: {  	v18 =	vsel vm7, v16, v14;
	v16 =	vsel vm7, v13, v19;
	v13 =	vmov s29  }
0x15b: {  	s21 =	sadd.s32 $0x1, s29;
	vm7 =	veq.s32 v13, v20;
	vm8 =	veq.s32 v13, v15;
	vm11 =	vlt.s32 v13, v15  }
0x15c: {  	vm13 =	veq.s32 v13, v18;
	vm14 =	vlt.s32 v13, v18;
	v17 =	vmov s21  }
0x15d: {  	vm9 =	veq.f32 v21, v12;
	vm10 =	vgt.f32 v21, v12;
	vm12 =	veq.f32 v21, v11  }
0x15e: {  	vm8 =	vmand vm8, vm9;
	vm9 =	vmand vm11, vm9;
	vm11 =	veq.f32 v21, v16  }
0x15f: {  	vm15 =	vgt.f32 v21, v16;
	vm7 =	vmand vm7, vm12;
	vm13 =	vmand vm13, vm11  }
0x160: {  	vm11 =	vmand vm14, vm11;
	vm9 =	vmor vm10, vm9;
	vm7 =	vmor vm7, vm13  }
0x161: {  	s31 =	simm.s32 $0x10;
	vm10 =	vlt.s32 v13, v20;
	vm11 =	vmor vm15, vm11;
	vm7 =	vmor vm8, vm7  }
0x162: {  	v13 =	vld.idx.msk [tilespmem:v9+s31+$0x0 ss:$0x1], $0xffff;
	vm10 =	vmand vm10, vm12;
	vm8 =	vgt.f32 v21, v11;
	vm7 =	vmneg vm7  }
0x163: {  	vm8 =	vmor vm8, vm10;
	vm15 =	vmand vm11, vm7;
	vm9 =	vmand vm9, vm7  }
0x164: {  	vm7 =	vmand vm8, vm7;
	v19 =	vsel vm9, v21, v12;
	v12 =	vsel vm9, s29, v15  }
0x165: {  	v14 =	vsel vm7, v21, v11;
	v15 =	vsel vm7, s29, v20;
	v12 =	vsel vm15, v18, v12  }
0x166: {  	vm10 =	veq.s32 v17, v15;
	v19 =	vsel vm15, v16, v19;
	v18 =	vsel vm15, s29, v18  }
0x167: {  	vm11 =	veq.f32 v13, v14;
	vm8 =	veq.s32 v17, v12;
	vm12 =	veq.f32 v13, v19  }
0x168: {  	vm9 =	vgt.f32 v13, v19;
	vm14 =	vlt.s32 v17, v12;
	v18 =	vsel vm7, v20, v18  }
0x169: {  	s22 =	smov.u32 s21;
	s23 =	simm.s32 $0x80;
	v20 =	vsel vm15, v21, v16;
	v16 =	vmovc v15;
	vm8 =	vmand vm8, vm12;
	vm13 =	veq.s32 v17, v18  }
.LBB2_27:
0x16a: {  	s24 =	sshra.s32 s23, $0x2;
	p3 =	seq.s32 s23, $0x1C0;
	s23 =	sadd.s32 $0x40, s23;
	vm15 =	vlt.s32 v17, v18;
	vm12 =	vmand vm14, vm12;
	v20 =	vsel vm7, v11, v20;
	v11 =	vmovc v14  }
0x16b: {  	vm7 =	vmand vm10, vm11;
	v21 =	vld.idx.msk [tilespmem:v9+s24+$0x0 ss:$0x1], $0xffff;
	vm10 =	veq.f32 v13, v20;
	vm14 =	vgt.f32 v13, v20  }
0x16c: {  	vm9 =	vmor vm9, vm12;
	vm13 =	vmand vm13, vm10;
	vm10 =	vmand vm15, vm10  }
0x16d: {  	vm12 =	vlt.s32 v17, v15;
	vm7 =	vmor vm7, vm13;
	vm10 =	vmor vm14, vm10  }
0x16e: {  	s21 =	sadd.s32 $0x1, s21;
	vm11 =	vmand vm12, vm11;
	vm7 =	vmor vm8, vm7;
	vm8 =	vgt.f32 v13, v14  }
0x16f: {  	v17 =	vmov s21;
	vm7 =	vmneg vm7;
	vm8 =	vmor vm8, vm11  }
0x170: {  	vm15 =	vmand vm10, vm7;
	vm9 =	vmand vm9, vm7  }
0x171: {  	vm7 =	vmand vm8, vm7;
	v19 =	vsel vm9, v13, v19;
	v12 =	vsel vm9, s22, v12  }
.Ltmp12:
0x172: {  	v14 =	vsel vm7, v13, v14;
	v15 =	vsel vm7, s22, v15;
	v12 =	vsel vm15, v18, v12;
	(pc) =	sbr.rel @!p3 .LBB2_27-.Ltmp12, $4  }
0x173: {  	vm10 =	veq.s32 v17, v15;
	v19 =	vsel vm15, v20, v19;
	vm8 =	veq.s32 v17, v12  }
0x174: {  	v18 =	vsel vm15, s22, v18;
	s22 =	smov.u32 s21;
	vm12 =	veq.f32 v21, v19;
	vm9 =	vgt.f32 v21, v19  }
0x175: {  	vm14 =	vlt.s32 v17, v12;
	v18 =	vsel vm7, v16, v18;
	v16 =	vmovc v15;
	vm8 =	vmand vm8, vm12  }
0x176: {  	vm11 =	veq.f32 v21, v14;
	v20 =	vsel vm15, v13, v20;
	v13 =	vmovc v21;
	vm13 =	veq.s32 v17, v18  }
0x177: {  	v9 =	vsel vm7, v11, v20  }
0x178: {  	vm7 =	vlt.s32 v17, v18;
	vm12 =	vmand vm14, vm12;
	vm15 =	veq.f32 v13, v9  }
0x179: {  	vm10 =	vmand vm10, vm11;
	vm14 =	vgt.f32 v13, v9;
	vm13 =	vmand vm13, vm15  }
0x17a: {  	vm9 =	vmor vm9, vm12;
	vm12 =	vlt.s32 v17, v15;
	vm10 =	vmor vm10, vm13  }
0x17b: {  	vm7 =	vmand vm7, vm15;
	vm11 =	vmand vm12, vm11;
	vm8 =	vmor vm8, vm10  }
0x17c: {  	vm7 =	vmor vm14, vm7;
	vm10 =	vgt.f32 v13, v14;
	vm8 =	vmneg vm8  }
0x17d: {  	vm10 =	vmor vm10, vm11;
	vm9 =	vmand vm9, vm8;
	vm7 =	vmand vm7, vm8  }
0x17e: {  	vm8 =	vmand vm10, vm8;
	v11 =	vsel vm9, s22, v12;
	v20 =	vsel vm9, v13, v19  }
0x17f: {  	v12 =	vsel vm8, v13, v14;
	v17 =	vsel vm8, s22, v15;
	v15 =	vsel vm7, v13, v9  }
0x180: {  	v13 =	vsel vm7, v9, v20;
	v9 =	vsel vm5, $0xF149F2CA, v4;
	vm5 =	veq.s32 v10, s20  }
0x181: {  	v6 =	vsel vm4, v9, v6;
	vm5 =	vmand vm6, vm5  }
0x182: {  	v10 =	vsel vm5, v6, v7  }
0x183: {  	(xrf0) =	vmax.scan.msk.f32 $0xffff, v10;
	_ =	sdelay $0x4  }
0x184: {  	v7 =	vsel vm4, v3, v5  }
0x185: {  	v19 =	vsel vm7, v18, v11;
	v5 =	vsel vm5, v7, v8;
	v4, _, _ =	vpop (xrf0)  }
0x186: {  	v11 =	vsel vm7, s22, v18;
	v8 =	vshll.u32 v5, $0x4;
	v4 =	vbroadcast v4, $0xF  }
0x187: {  	v18 =	vsel vm8, v16, v11;
	v11 =	vor.u32 v1, v8  }
0x188: {  	vm6 =	veq.f32 v10, v4;
	v4 =	vxor.u32 $0x80000000, v11  }
0x189: {  	v4 =	vnsel vm6, $0xFFFFFFFF, v4  }
0x18a: {  	(xrf0) =	vmin.scan.msk.u32 $0xffff, v4;
	_ =	sdelay $0x5  }
0x18b: {  	v4, _, _ =	vpop (xrf0)  }
0x18c: {  	(v2sf) =	vpush v4, $0xF;
	_ =	sdelay $0xe  }
0x18d: {  	s26 =	spop (v2sf)  }
0x18e: {  	s20 =	sxor.u32 $0x80000000, s26  }
0x18f: {  	s21 =	sshrl.u32 s20, $0x4  }
0x190: {  	s28 =	sshll.u32 s21, $0xA  }
0x191: {  	s22 =	sor.u32 s19, s28  }
0x192: {  	s23 =	sshra.s32 s22, $0x2  }
0x193: {  	v4 =	vmov s23;
	_ =	sdelay $0x3  }
0x194: {  	s30 =	simm.s32 $0x0  }
0x195: {  	v21 =	vld.idx.msk [tilespmem:v4+s30+$0x0 ss:$0x1], $0xffff  }
0x196: {  	s29 =	sshll.u32 s21, $0x3  }
0x197: {  	v20 =	vsel vm8, v14, v15;
	v8 =	vmov s29  }
0x198: {  	s21 =	sadd.s32 $0x1, s29;
	vm7 =	veq.s32 v8, v17;
	vm8 =	veq.s32 v8, v19;
	vm11 =	vlt.s32 v8, v19  }
0x199: {  	vm13 =	veq.s32 v8, v18;
	vm14 =	vlt.s32 v8, v18;
	v15 =	vmov s21  }
0x19a: {  	vm9 =	veq.f32 v21, v13;
	vm10 =	vgt.f32 v21, v13;
	vm12 =	veq.f32 v21, v12  }
0x19b: {  	vm8 =	vmand vm8, vm9;
	vm9 =	vmand vm11, vm9;
	vm11 =	veq.f32 v21, v20  }
0x19c: {  	vm15 =	vgt.f32 v21, v20;
	vm7 =	vmand vm7, vm12;
	vm13 =	vmand vm13, vm11  }
0x19d: {  	s31 =	simm.s32 $0x10;
	vm11 =	vmand vm14, vm11;
	vm9 =	vmor vm10, vm9;
	vm7 =	vmor vm7, vm13  }
0x19e: {  	vm10 =	vlt.s32 v8, v17;
	v8 =	vld.idx.msk [tilespmem:v4+s31+$0x0 ss:$0x1], $0xffff;
	vm11 =	vmor vm15, vm11;
	vm7 =	vmor vm8, vm7  }
0x19f: {  	vm10 =	vmand vm10, vm12;
	vm8 =	vgt.f32 v21, v12;
	vm7 =	vmneg vm7  }
0x1a0: {  	vm8 =	vmor vm8, vm10;
	vm15 =	vmand vm11, vm7;
	vm9 =	vmand vm9, vm7  }
0x1a1: {  	vm7 =	vmand vm8, vm7;
	v22 =	vsel vm9, v21, v13;
	v13 =	vsel vm9, s29, v19  }
0x1a2: {  	v16 =	vsel vm7, v21, v12;
	v14 =	vsel vm15, v18, v13;
	v13 =	vsel vm7, s29, v17  }
0x1a3: {  	v19 =	vsel vm15, v20, v22;
	v18 =	vsel vm15, s29, v18;
	vm11 =	veq.f32 v8, v16  }
0x1a4: {  	v20 =	vsel vm15, v21, v20;
	vm10 =	veq.s32 v15, v13;
	vm8 =	veq.s32 v15, v14  }
0x1a5: {  	vm12 =	veq.f32 v8, v19;
	vm9 =	vgt.f32 v8, v19;
	v18 =	vsel vm7, v17, v18  }
0x1a6: {  	s22 =	smov.u32 s21;
	s23 =	simm.s32 $0x80;
	vm14 =	vlt.s32 v15, v14;
	v17 =	vmovc v13;
	vm8 =	vmand vm8, vm12;
	vm13 =	veq.s32 v15, v18  }
.LBB2_29:
0x1a7: {  	s24 =	sshra.s32 s23, $0x2;
	p3 =	seq.s32 s23, $0x1C0;
	s23 =	sadd.s32 $0x40, s23;
	vm15 =	vlt.s32 v15, v18;
	vm12 =	vmand vm14, vm12;
	v20 =	vsel vm7, v12, v20;
	v12 =	vmovc v16  }
0x1a8: {  	vm7 =	vmand vm10, vm11;
	v21 =	vld.idx.msk [tilespmem:v4+s24+$0x0 ss:$0x1], $0xffff;
	vm10 =	veq.f32 v8, v20;
	vm14 =	vgt.f32 v8, v20  }
0x1a9: {  	vm9 =	vmor vm9, vm12;
	vm13 =	vmand vm13, vm10;
	vm10 =	vmand vm15, vm10  }
0x1aa: {  	vm12 =	vlt.s32 v15, v13;
	vm7 =	vmor vm7, vm13;
	vm10 =	vmor vm14, vm10  }
0x1ab: {  	s21 =	sadd.s32 $0x1, s21;
	vm11 =	vmand vm12, vm11;
	vm7 =	vmor vm8, vm7;
	vm8 =	vgt.f32 v8, v16  }
0x1ac: {  	v15 =	vmov s21;
	vm7 =	vmneg vm7;
	vm8 =	vmor vm8, vm11  }
0x1ad: {  	vm15 =	vmand vm10, vm7;
	vm9 =	vmand vm9, vm7  }
0x1ae: {  	vm7 =	vmand vm8, vm7;
	v19 =	vsel vm9, v8, v19;
	v14 =	vsel vm9, s22, v14  }
.Ltmp13:
0x1af: {  	v16 =	vsel vm7, v8, v16;
	v13 =	vsel vm7, s22, v13;
	v14 =	vsel vm15, v18, v14;
	(pc) =	sbr.rel @!p3 .LBB2_29-.Ltmp13, $4  }
0x1b0: {  	vm10 =	veq.s32 v15, v13;
	v19 =	vsel vm15, v20, v19;
	vm8 =	veq.s32 v15, v14  }
0x1b1: {  	v18 =	vsel vm15, s22, v18;
	s22 =	smov.u32 s21;
	vm12 =	veq.f32 v21, v19;
	vm9 =	vgt.f32 v21, v19  }
0x1b2: {  	vm14 =	vlt.s32 v15, v14;
	v18 =	vsel vm7, v17, v18;
	v17 =	vmovc v13;
	vm8 =	vmand vm8, vm12  }
0x1b3: {  	vm11 =	veq.f32 v21, v16;
	v20 =	vsel vm15, v8, v20;
	v8 =	vmovc v21;
	vm13 =	veq.s32 v15, v18  }
0x1b4: {  	v9 =	vsel vm4, $0xF149F2CA, v9;
	vm4 =	veq.s32 v11, s20  }
0x1b5: {  	v6 =	vsel vm5, v9, v6;
	vm4 =	vmand vm6, vm4  }
0x1b6: {  	v6 =	vsel vm4, v6, v10  }
0x1b7: {  	(xrf0) =	vmax.scan.msk.f32 $0xffff, v6;
	_ =	sdelay $0x5  }
0x1b8: {  	v3 =	vsel vm5, v3, v7;
	v7, _, _ =	vpop (xrf0)  }
0x1b9: {  	v3 =	vsel vm4, v3, v5;
	v5 =	vbroadcast v7, $0xF  }
0x1ba: {  	v7 =	vshll.u32 v3, $0x4;
	v3 =	vor.u32 $0x80000000, v1  }
0x1bb: {  	vm4 =	veq.f32 v6, v5;
	v5 =	vxor.u32 v3, v7  }
0x1bc: {  	v5 =	vnsel vm4, $0xFFFFFFFF, v5  }
0x1bd: {  	(xrf0) =	vmin.scan.msk.u32 $0xffff, v5;
	_ =	sdelay $0x5  }
0x1be: {  	v5, _, _ =	vpop (xrf0)  }
0x1bf: {  	(v2sf) =	vpush v5, $0xF;
	_ =	sdelay $0xe  }
0x1c0: {  	s30 =	spop (v2sf)  }
0x1c1: {  	s20 =	sshrl.u32 s30, $0x4  }
0x1c2: {  	s21 =	sshll.u32 s20, $0xA  }
0x1c3: {  	v12 =	vsel vm7, v12, v20;
	vm7 =	vlt.s32 v15, v18;
	vm12 =	vmand vm14, vm12;
	s19 =	sor.u32 s19, s21  }
0x1c4: {  	vm10 =	vmand vm10, vm11;
	vm15 =	veq.f32 v8, v12;
	vm14 =	vgt.f32 v8, v12;
	s19 =	sshra.s32 s19, $0x2  }
0x1c5: {  	vm9 =	vmor vm9, vm12;
	vm13 =	vmand vm13, vm15;
	v9 =	vmov s19  }
0x1c6: {  	vm12 =	vlt.s32 v15, v13;
	vm7 =	vmand vm7, vm15;
	vm10 =	vmor vm10, vm13  }
0x1c7: {  	vm11 =	vmand vm12, vm11;
	vm8 =	vmor vm8, vm10;
	vm10 =	vgt.f32 v8, v16  }
0x1c8: {  	vm7 =	vmor vm14, vm7;
	vm8 =	vmneg vm8;
	vm10 =	vmor vm10, vm11  }
0x1c9: {  	s31 =	simm.s32 $0x0;
	vm9 =	vmand vm9, vm8;
	vm7 =	vmand vm7, vm8;
	vm8 =	vmand vm10, vm8  }
0x1ca: {  	v4 =	vsel vm9, s22, v14;
	v19 =	vsel vm9, v8, v19;
	v15 =	vsel vm8, v8, v16;
	s20 =	sshll.u32 s20, $0x3;
	v5 =	vld.idx.msk [tilespmem:v9+s31+$0x0 ss:$0x1], $0xffff  }
0x1cb: {  	v14 =	vsel vm8, s22, v13;
	v63 =	vsel vm7, s22, v18;
	v20 =	vsel vm7, v8, v12;
	s19 =	sxor.u32 $0x40000000, s20  }
0x1cc: {  	v4 =	vsel vm7, v18, v4;
	v13 =	vsel vm7, v12, v19;
	v6 =	vmov s19  }
0x1cd: {  	v8 =	vsel vm8, v17, v63;
	v12 =	vsel vm8, v16, v20;
	vm4 =	veq.s32 v6, v14  }
0x1ce: {  	vm7 =	veq.s32 v6, v4;
	vm9 =	veq.s32 v6, v8;
	vm8 =	vlt.s32 v6, v4  }
0x1cf: {  	vm11 =	vlt.s32 v6, v8;
	vm5 =	veq.f32 v5, v15;
	vm10 =	vgt.f32 v5, v13  }
0x1d0: {  	vm13 =	veq.f32 v5, v12;
	vm6 =	vmand vm4, vm5;
	vm4 =	veq.f32 v5, v13  }
0x1d1: {  	vm12 =	vmand vm8, vm4;
	vm8 =	vmand vm7, vm4;
	vm7 =	vmand vm11, vm13  }
0x1d2: {  	v7 =	vmovc v15;
	s21 =	simm.s32 $0x40;
	vm4 =	vmor vm10, vm12;
	vm10 =	vmand vm9, vm13;
	vm9 =	vlt.s32 v6, v14;
	v6 =	vmovc v14  }
.LBB2_31:
0x1d3: {  	s22 =	sshra.s32 s21, $0x2;
	p3 =	sne.s32 s21, $0x1C0;
	s21 =	sadd.s32 $0x40, s21;
	vm6 =	vmor vm6, vm10;
	vm10 =	vgt.f32 v5, v15  }
0x1d4: {  	vm5 =	vmand vm9, vm5;
	v10 =	vld.idx.msk [tilespmem:v9+s22+$0x0 ss:$0x1], $0xffff;
	vm6 =	vmor vm8, vm6;
	vm8 =	vgt.f32 v5, v12  }
0x1d5: {  	vm5 =	vmor vm10, vm5;
	vm6 =	vmneg vm6;
	vm8 =	vmor vm8, vm7  }
0x1d6: {  	s20 =	sadd.s32 $0x1, s20;
	vm7 =	vmand vm5, vm6;
	vm8 =	vmand vm8, vm6;
	vm4 =	vmand vm4, vm6  }
0x1d7: {  	s22 =	sxor.u32 $0x40000000, s20;
	v11 =	vsel vm4, v5, v13;
	v4 =	vsel vm4, s19, v4;
	v16 =	vsel vm8, s19, v8  }
0x1d8: {  	v17 =	vmov s22;
	v14 =	vsel vm7, s19, v14;
	s19 =	smov.u32 s22;
	v4 =	vsel vm8, v8, v4  }
0x1d9: {  	v15 =	vsel vm7, v5, v15;
	vm4 =	veq.s32 v17, v14;
	vm9 =	veq.s32 v17, v4  }
0x1da: {  	v13 =	vsel vm8, v12, v11;
	v8 =	vsel vm7, v6, v16;
	v6 =	vmovc v14;
	vm5 =	veq.f32 v10, v15  }
.Ltmp14:
0x1db: {  	v11 =	vsel vm8, v5, v12;
	vm10 =	veq.s32 v17, v8;
	v5 =	vmovc v10;
	vm6 =	vmand vm4, vm5;
	(pc) =	sbr.rel @p3 .LBB2_31-.Ltmp14, $4  }
0x1dc: {  	vm8 =	vlt.s32 v17, v4;
	vm4 =	veq.f32 v5, v13;
	vm11 =	vgt.f32 v5, v13  }
0x1dd: {  	vm12 =	vlt.s32 v17, v8;
	v12 =	vsel vm7, v7, v11;
	v7 =	vmovc v15;
	vm13 =	vmand vm8, vm4  }
0x1de: {  	vm7 =	veq.f32 v5, v12;
	vm8 =	vmand vm9, vm4;
	vm4 =	vmor vm11, vm13  }
0x1df: {  	vm10 =	vmand vm10, vm7;
	vm9 =	vlt.s32 v17, v14;
	vm7 =	vmand vm12, vm7  }
0x1e0: {  	vm6 =	vmor vm6, vm10  }
0x1e1: {  	vm14 =	vgt.f32 v5, v15;
	vm15 =	vmand vm9, vm5;
	vm6 =	vmor vm8, vm6  }
0x1e2: {  	vm11 =	vmor vm14, vm15;
	vm5 =	vmneg vm6  }
0x1e3: {  	vm8 =	vmand vm11, vm5  }
0x1e4: {  	v9 =	vsel vm8, v5, v15  }
0x1e5: {  	(xrf0) =	vmax.scan.msk.f32 $0xffff, v9;
	_ =	sdelay $0x5  }
0x1e6: {  	v10 =	vsel vm8, s19, v14;
	v11, _, _ =	vpop (xrf0)  }
0x1e7: {  	v14 =	vshll.u32 v10, $0x4;
	v11 =	vbroadcast v11, $0xF  }
0x1e8: {  	v14 =	vor.u32 v1, v14  }
0x1e9: {  	v52 =	vxor.u32 $0x80000000, v14;
	vm12 =	veq.f32 v9, v11  }
0x1ea: {  	v15 =	vnsel vm12, $0xFFFFFFFF, v52  }
0x1eb: {  	(xrf0) =	vmin.scan.msk.u32 $0xffff, v15;
	_ =	sdelay $0x5  }
0x1ec: {  	v15, _, _ =	vpop (xrf0)  }
0x1ed: {  	(v2sf) =	vpush v15, $0xF;
	_ =	sdelay $0xd  }
0x1ee: {  	vm13 =	vgt.f32 v5, v12  }
0x1ef: {  	vm6 =	vmor vm13, vm7;
	s20 =	spop (v2sf)  }
0x1f0: {  	vm6 =	vmand vm6, vm5;
	s20 =	sxor.u32 $0x80000000, s20  }
0x1f1: {  	v53 =	vsel vm6, v5, v12;
	vm14 =	veq.s32 v14, s20  }
0x1f2: {  	v7 =	vsel vm8, v7, v53;
	vm7 =	vmand vm12, vm14  }
0x1f3: {  	v9 =	vsel vm7, v7, v9  }
0x1f4: {  	(xrf0) =	vmax.scan.msk.f32 $0xffff, v9;
	_ =	sdelay $0x3  }
0x1f5: {  	v54 =	vsel vm6, s19, v8  }
0x1f6: {  	v6 =	vsel vm8, v6, v54  }
0x1f7: {  	v10 =	vsel vm7, v6, v10;
	v55, _, _ =	vpop (xrf0)  }
0x1f8: {  	v56 =	vshll.u32 v10, $0x4;
	v14 =	vbroadcast v55, $0xF  }
0x1f9: {  	v15 =	vor.u32 v1, v56  }
0x1fa: {  	v16 =	vxor.u32 $0x80000000, v15;
	vm15 =	veq.f32 v9, v14  }
0x1fb: {  	v16 =	vnsel vm15, $0xFFFFFFFF, v16  }
0x1fc: {  	(xrf0) =	vmin.scan.msk.u32 $0xffff, v16;
	_ =	sdelay $0x5  }
0x1fd: {  	v16, _, _ =	vpop (xrf0)  }
0x1fe: {  	(v2sf) =	vpush v16, $0xF;
	_ =	sdelay $0xe  }
0x1ff: {  	vm4 =	vmand vm4, vm5;
	s21 =	spop (v2sf)  }
0x200: {  	v57 =	vsel vm4, v5, v13;
	s21 =	sxor.u32 $0x80000000, s21  }
0x201: {  	v5 =	vsel vm6, v12, v57;
	vm5 =	veq.s32 v15, s21  }
0x202: {  	v5 =	vsel vm7, v5, v7;
	vm5 =	vmand vm15, vm5  }
0x203: {  	v5 =	vsel vm5, v5, v9  }
0x204: {  	(xrf0) =	vmax.scan.msk.f32 $0xffff, v5;
	_ =	sdelay $0x5  }
0x205: {  	v58, _, _ =	vpop (xrf0)  }
0x206: {  	v7 =	vbroadcast v58, $0xF;
	_ =	sdelay $0x1  }
0x207: {  	v59 =	vnsel vm0, $0xF149F2CA, v7  }
0x208: {  	v9 =	vsel vm1, v59, v14  }
0x209: {  	v9 =	vsel vm2, v9, v11  }
0x20a: {  	v9 =	vsub.f32 v9, v11;
	_ =	sdelay $0x1  }
0x20b: {  	v9 =	vmul.f32 $1.442695020e+00, v9;
	_ =	sdelay $0x1  }
0x20c: {  	v4 =	vsel vm4, s19, v4;
	(erf) = vpow2.f32 v9  }
0x20d: {  	v4 =	vsel vm6, v8, v4  }
0x20e: {  	v4 =	vsel vm7, v4, v6  }
0x20f: {  	v4 =	vsel vm5, v4, v10  }
0x210: {  	v4 =	vshll.u32 v4, $0x4  }
0x211: {  	v3 =	vxor.u32 v3, v4;
	vm4 =	veq.f32 v5, v7  }
0x212: {  	v3 =	vnsel vm4, $0xFFFFFFFF, v3;
	_ =	sdelay $0x1  }
0x213: {  	(xrf0) =	vmin.scan.msk.u32 $0xffff, v3  }
0x214: {  	v3 =	vpop (erf)  }
0x215: {  	(xrf2) =	vadd.scan.msk.f32 $0xffff, v3;
	_ =	sdelay $0x3  }
0x216: {  	v60, _, _ =	vpop (xrf0)  }
0x217: {  	(v2sf) =	vpush v60, $0xF;
	_ =	sdelay $0x4  }
0x218: {  	v61, _, _ =	vpop (xrf2)  }
0x219: {  	v4 =	vbroadcast v61, $0xF;
	_ =	sdelay $0x1  }
0x21a: {  	(erf) = vrcp.f32 v4;
	_ =	sdelay $0x6  }
0x21b: {  	s31 =	spop (v2sf)  }
0x21c: {  	s19 =	sxor.u32 $0x80000000, s31  }
0x21d: {  	v62 =	vmov s19;
	s19 =	simm.s32 @!p2 $0x5;
	v63 =	vpop (erf)  }
0x21e: {  	v4 =	vnsel vm0, $0x0, v62;
	_ =	swait.ge @!p2 [sflag:s19], $0x8000  }
0x21f: {  	vm4 =	veq.s32 v1, $0x0;
	v4 =	vsel vm3, s21, v4;
	[sflag:s19] =	ssyncset.done @!p2 $0x0  }
0x220: {  	s17 =	sadd.s32 $0x1, s17;
	v5 =	vimm.f32 @!p2 $0.0e+00;
	v4 =	vsel vm4, s20, v4;
	[sflag:s19] =	ssyncadd.s32 @!p2 $0xFFFF8000;
	s19 =	simm.s32 @!p2 $0x10000  }
0x221: {  	[tilespmem:v2+s19+$0x0] =	vst.idx.msk @!p2 $0x7, v5;
	p2 =	sne.s32 s17, $0x4  }
.Ltmp15:
0x222: {  	_ = 	snop;
	(pc) =	sbr.rel @p2 .LBB2_12-.Ltmp15, $3  }
0x223: {  	v3 =	vmul.f32 v63, v3;
	_ =	sdelay $0x1  }
0x224: {  	s18 =	sadd.s32 s18, s10;
	p0 =	por !p0, !p0;
	p1 =	por !p1, !p1;
	[tilespmem:v4+s12+$0x0] =	vst.idx.msk $0x7, v3  }
0x225: {  	v2 =	vmov v4;
	[hbm4b:s18+s13] =	stream.strided.scatter [tilespmem:s12], [sflag:$0x5], $0x8000, s14, s13, $0x38;
	[tilespmem:$0x18000] =	vst v63  }
0x226: {  	s16 =	sadd.s32 $0x1, s16  }
0x227: {  	p0 =	sne.s32 s16, s11  }
.Ltmp16:
0x228: {  	_ = 	snop;
	(pc) =	sbr.rel @p0 .LBB2_1-.Ltmp16, $4  }
0x229: {  	_ = 	snop  }
0x22a: {  	_ =	swait.ge [sflag:s15], $0x8000  }
0x22b: {  	[sflag:s15] =	ssyncset.done $0x0  }
0x22c: {  	[sflag:s15] =	ssyncadd.s32 $0xFFFF8000  }
0x22d: {  	_ =	sfence.sel $0x180000  }
0x22e: {  	[bflag:$0x0] =	sbarrier.arrive $0xFFFF  }
0x22f: {  	p0 =	sne.s32 s0, $0x0;
	_ =	strace $0x90000047  }
0x230: {  	s0 =	sadd.s32 @!p0 $0x100000, s1;
	[bflag:$0x2] =	sbarrier.arrive $0xFFFF  }
0x231: {  	[sflag:s0] =	ssyncadd.tile.s32 @!p0 $0x1;
	_ =	shalt  }
.Lfunc_end2:
_tile_overlayer_lowered:
.L_overlay_start_2:
0x232: {  	(tag) =	ssettag $0x2  }
0x233: {  	s0 =	rddreg [dreg:$0x0];
	s2 =	stileid.u32  }
0x234: {  	s1 =	rddreg [dreg:$0x1];
	p0 =	sne.s32 s2, $0x0  }
0x235: {  	s3 =	rddreg [dreg:$0x2];
	[bflag:$0x3] =	sbarrier.arrive $0xFFFF;
	s2 =	simm.s32 @!p0 $0x1C06  }
0x236: {  	[timem:s3], [sflag:s2] =	dma.local @!p0 [hbm:s0], s1  }
0x237: {  	s0 =	simm.s32 @!p0 $0x6  }
0x238: {  	_ =	swait.ge @!p0 [sflag:s0], s1  }
0x239: {  	s1 =	ssub.s32 @!p0 $0x0, s1;
	[sflag:s0] =	ssyncset.done @!p0 $0x0  }
0x23a: {  	[sflag:s0] =	ssyncadd.s32 @!p0 s1  }
0x23b: {  	[bflag:$0x3] =	sbarrier.arrive $0xFFFF  }
0x23c: {  	_ =	shalt  }

</sc_bundles>
